<compile_context>
chip_gen: v7x
topology: tpu7x:2x2x1
jax: 0.10.2.dev20260603
libtpu: 0.0.44.dev20260713+nightly
codegen_flags: <defaults>
</compile_context>

<pallas_src>
import functools

import jax
import jax.numpy as jnp
from jax import lax
from jax.experimental import pallas as pl
from jax.experimental.pallas import tpu as pltpu
from jax.experimental.pallas import tpu_sc as plsc

B = 4096
L = 200
D = 64
V = 1000000
R = 8192
G2 = 61
CUT1 = G2 * R
CUT2 = 2 * CUT1
TAIL = V - CUT2
TH = TAIL // 2
H3 = (G2 + 1) * R
V2 = 2 * H3
NC = 2
NS = 16
NW = NC * NS
RPW = B // NW
LA = 128
LB = L - LA
LANES = 16
KV = D // LANES
UNROLL = 8


def _repack_table(table):
  tt = jnp.swapaxes(table, 0, 1)
  tail = lax.dynamic_slice(tt, (0, CUT2), (D, TAIL))

  def body(a_ref, b_ref, t_ref, o_ref):
    c = pl.program_id(0)

    @pl.when(c < G2)
    def _():
      o_ref[...] = jnp.concatenate(
          [jnp.transpose(a_ref[...], (1, 0)),
           jnp.transpose(b_ref[...], (1, 0))], axis=1)

    @pl.when(c == G2)
    def _():
      o_ref[0:TH, 0:D] = jnp.transpose(t_ref[:, 0:TH], (1, 0))
      o_ref[0:TH, D:2 * D] = jnp.transpose(t_ref[:, TH:TAIL], (1, 0))

  packed = pl.pallas_call(
      body,
      grid=(G2 + 1,),
      compiler_params=pltpu.CompilerParams(
          dimension_semantics=("parallel",)),
      in_specs=[
          pl.BlockSpec((D, R), lambda c: (0, jnp.minimum(c, G2 - 1))),
          pl.BlockSpec((D, R), lambda c: (0, jnp.minimum(c + G2, 2 * G2 - 1))),
          pl.BlockSpec((D, TAIL), lambda c: (0, 0)),
      ],
      out_specs=pl.BlockSpec((R, 2 * D), lambda c: (c, 0)),
      out_shape=jax.ShapeDtypeStruct((H3, 2 * D), jnp.float32),
  )(tt, tt, tail)
  return packed.reshape(V2, D)


def _pooled_lookup(items, table_p):
  mesh = plsc.VectorSubcoreMesh(core_axis_name="c", subcore_axis_name="s")

  @functools.partial(
      pl.kernel,
      mesh=mesh,
      compiler_params=pltpu.CompilerParams(use_tc_tiling_on_sc=False),
      out_type=jax.ShapeDtypeStruct((B, D), jnp.float32),
      scratch_types=[
          pltpu.VMEM((RPW, LA), jnp.int32),
          pltpu.VMEM((RPW, LB), jnp.int32),
          pltpu.VMEM((4, L, D), jnp.float32),
          pltpu.VMEM((RPW, D), jnp.float32),
          pltpu.SemaphoreType.DMA,
          pltpu.SemaphoreType.DMA,
          pltpu.SemaphoreType.DMA,
          pltpu.SemaphoreType.DMA,
      ],
  )
  def k(items_hbm, table_hbm, out_hbm,
        idx_a, idx_b, rows_v, out_v, sem0, sem1, sem2, sem3):
    wid = lax.axis_index("s") * NC + lax.axis_index("c")
    row0 = wid * RPW
    sems = (sem0, sem1, sem2, sem3)

    pltpu.sync_copy(items_hbm.at[pl.ds(row0, RPW), pl.ds(0, LA)], idx_a)
    pltpu.sync_copy(items_hbm.at[pl.ds(row0, RPW), pl.ds(LA, LB)], idx_b)

    def gather_a(j, buf):
      return pltpu.make_async_copy(
          table_hbm.at[idx_a.at[j]],
          rows_v.at[buf, pl.ds(0, LA)],
          sems[buf])

    def gather_b(j, buf):
      return pltpu.make_async_copy(
          table_hbm.at[idx_b.at[j]],
          rows_v.at[buf, pl.ds(LA, LB)],
          sems[buf])

    def issue(j, buf):
      gather_a(j, buf).start()
      gather_b(j, buf).start()

    def wait(j, buf):
      gather_a(j, buf).wait()
      gather_b(j, buf).wait()

    issue(0, 0)
    issue(1, 1)
    issue(2, 2)
    issue(3, 3)

    scale = jnp.float32(1.0 / L)

    def accumulate(buf):
      def step(i, accs):
        for u in range(UNROLL):
          r = i * UNROLL + u
          accs = tuple(
              accs[kk] + rows_v[buf, r, pl.ds(kk * LANES, LANES)]
              for kk in range(KV))
        return accs
      init = tuple(jnp.zeros((LANES,), jnp.float32) for _ in range(KV))
      return lax.fori_loop(0, L // UNROLL, step, init)

    def outer(i, carry):
      for b2 in range(4):
        j = i * 4 + b2
        wait(j, b2)
        accs = accumulate(b2)
        nj = j + 4

        @pl.when(nj < RPW)
        def _():
          issue(nj, b2)

        for kk in range(KV):
          out_v[j, pl.ds(kk * LANES, LANES)] = accs[kk] * scale
      return carry

    lax.fori_loop(0, RPW // 4, outer, 0)
    pltpu.sync_copy(out_v, out_hbm.at[pl.ds(row0, RPW)])

  return k(items, table_p)


def kernel(items, table):
  table_p = _repack_table(table)
  it = items.astype(jnp.int32)
  rows = jnp.where(
      it < CUT1, 2 * it,
      jnp.where(
          it < CUT2, 2 * it - (2 * CUT1 - 1),
          jnp.where(it < CUT2 + TH, 2 * it - CUT2, 2 * it - (CUT2 + TAIL - 1))))
  return _pooled_lookup(rows, table_p)

# --- scband reference (transcript-rebuilt; emitter-appended) ---
"""Pipeline reference for scband-item-embedding-86380382257234 (READ-ONLY COPY).

The authoritative reference and input builder live on the scoring server;
editing this copy changes nothing except your own understanding.
"""

import jax, jax.numpy as jnp
import numpy as np

ITEM_VOC_SIZE = 1000000
EMBEDDING_SIZE = 64

def setup_inputs(seed: int = 0) -> dict:
    key = jax.random.key(seed)
    k1, k2 = jax.random.split(key)
    items = jax.random.randint(k1, (4096, 200), 0, ITEM_VOC_SIZE, dtype=jnp.int64 if jax.config.jax_enable_x64 else jnp.int32)
    table = jax.random.normal(k2, (ITEM_VOC_SIZE, EMBEDDING_SIZE), dtype=jnp.float32)
    return {"items": items, "table": table}

def reference(items, table):
    # nn.Embedding lookup: gather rows of the table
    embedding = jnp.take(table, items, axis=0)  # [B, L, D]
    # embedding_pooling_type == 'mean' with flatten=True -> mean over dim=-2
    embedding = jnp.mean(embedding, axis=-2)  # [B, D]
    return embedding

if __name__ == "__main__":
    import jax
    _d = setup_inputs()
    print(jax.jit(kernel)(*tuple(_d.values())))

</pallas_src>

<mosaic_0001>
#map = affine_map<(d0, d1) -> (0, 0)>
module attributes {stable_mosaic.version = 14 : i64} {
  func.func @k(%arg0: i32, %arg1: i32, %arg2: memref<4096x200xi32, #tpu.memory_space<hbm>>, %arg3: memref<1015808x64xf32, #tpu.memory_space<hbm>>, %arg4: memref<4096x64xf32, #tpu.memory_space<hbm>>, %arg5: memref<128x128xi32, #tpu.memory_space<vmem>>, %arg6: memref<128x72xi32, #tpu.memory_space<vmem>>, %arg7: memref<4x200x64xf32, #tpu.memory_space<vmem>>, %arg8: memref<128x64xf32, #tpu.memory_space<vmem>>, %arg9: memref<!tpu.dma_semaphore, #tpu.memory_space<semaphore_mem>>, %arg10: memref<!tpu.dma_semaphore, #tpu.memory_space<semaphore_mem>>, %arg11: memref<!tpu.dma_semaphore, #tpu.memory_space<semaphore_mem>>, %arg12: memref<!tpu.dma_semaphore, #tpu.memory_space<semaphore_mem>>) attributes {dimension_semantics = [#tpu.dimension_semantics<core_parallel>, #tpu.dimension_semantics<subcore_parallel>], iteration_bounds = array<i64: 2, 16>, scalar_prefetch = 0 : i64, scratch_operands = 8 : i64, tpu.core_type = #tpu.core_type<sc_vector_subcore>, window_params = [{transform_indices = #map}, {transform_indices = #map}, {transform_indices = #map}]} {
    %mul3A = arith.constant 2 : i32
    %mul3A_0 = arith.muli %arg1, %mul3A : i32
    %add3A = arith.addi %mul3A_0, %arg0 : i32
    %mul3A_1 = arith.constant 128 : i32
    %mul3A_2 = arith.muli %add3A, %mul3A_1 : i32
    "tpu.region"() ({
      %run_scoped3A = tpu.sem_alloc : memref<!tpu.dma_semaphore, #tpu.memory_space<semaphore_mem>>
      %dma_start3A_104 = arith.constant 0 : i32
      %dma_start3A_105 = tpu.memref_slice %arg2[%mul3A_2, %dma_start3A_104] : memref<4096x200xi32, #tpu.memory_space<hbm>> -> memref<128x128xi32, #tpu.memory_space<hbm>>
      %dma_start3A_106 = arith.constant 0 : i32
      %dma_start3A_107 = tpu.memref_slice %arg2[%mul3A_2, %dma_start3A_106] : memref<4096x200xi32, #tpu.memory_space<hbm>> -> memref<128x128xi32, #tpu.memory_space<hbm>>
      tpu.enqueue_dma source(%dma_start3A_107 : memref<128x128xi32, #tpu.memory_space<hbm>>) target(%arg5 : memref<128x128xi32, #tpu.memory_space<vmem>>) target_semaphore(%run_scoped3A : memref<!tpu.dma_semaphore, #tpu.memory_space<semaphore_mem>>)
      %dma_wait3A = arith.constant 0 : i32
      %dma_wait3A_108 = tpu.memref_slice %arg2[%mul3A_2, %dma_wait3A] : memref<4096x200xi32, #tpu.memory_space<hbm>> -> memref<128x128xi32, #tpu.memory_space<hbm>>
      %dma_wait3A_109 = arith.constant 0 : i32
      %dma_wait3A_110 = tpu.memref_slice %arg2[%mul3A_2, %dma_wait3A_109] : memref<4096x200xi32, #tpu.memory_space<hbm>> -> memref<128x128xi32, #tpu.memory_space<hbm>>
      tpu.wait_dma2 semaphore(%run_scoped3A : memref<!tpu.dma_semaphore, #tpu.memory_space<semaphore_mem>>) src(%dma_wait3A_110 : memref<128x128xi32, #tpu.memory_space<hbm>>) dst(%arg5 : memref<128x128xi32, #tpu.memory_space<vmem>>)
      tpu.yield
    }) : () -> ()
    "tpu.region"() ({
      %run_scoped3A = tpu.sem_alloc : memref<!tpu.dma_semaphore, #tpu.memory_space<semaphore_mem>>
      %dma_start3A_104 = arith.constant 128 : i32
      %dma_start3A_105 = tpu.memref_slice %arg2[%mul3A_2, %dma_start3A_104] : memref<4096x200xi32, #tpu.memory_space<hbm>> -> memref<128x72xi32, #tpu.memory_space<hbm>>
      %dma_start3A_106 = arith.constant 128 : i32
      %dma_start3A_107 = tpu.memref_slice %arg2[%mul3A_2, %dma_start3A_106] : memref<4096x200xi32, #tpu.memory_space<hbm>> -> memref<128x72xi32, #tpu.memory_space<hbm>>
      tpu.enqueue_dma source(%dma_start3A_107 : memref<128x72xi32, #tpu.memory_space<hbm>>) target(%arg6 : memref<128x72xi32, #tpu.memory_space<vmem>>) target_semaphore(%run_scoped3A : memref<!tpu.dma_semaphore, #tpu.memory_space<semaphore_mem>>)
      %dma_wait3A = arith.constant 128 : i32
      %dma_wait3A_108 = tpu.memref_slice %arg2[%mul3A_2, %dma_wait3A] : memref<4096x200xi32, #tpu.memory_space<hbm>> -> memref<128x72xi32, #tpu.memory_space<hbm>>
      %dma_wait3A_109 = arith.constant 128 : i32
      %dma_wait3A_110 = tpu.memref_slice %arg2[%mul3A_2, %dma_wait3A_109] : memref<4096x200xi32, #tpu.memory_space<hbm>> -> memref<128x72xi32, #tpu.memory_space<hbm>>
      tpu.wait_dma2 semaphore(%run_scoped3A : memref<!tpu.dma_semaphore, #tpu.memory_space<semaphore_mem>>) src(%dma_wait3A_110 : memref<128x72xi32, #tpu.memory_space<hbm>>) dst(%arg6 : memref<128x72xi32, #tpu.memory_space<vmem>>)
      tpu.yield
    }) : () -> ()
    %dma_start3A = arith.constant 0 : i32
    %dma_start3A_3 = arith.constant 0 : i32
    %dma_start3A_4 = arith.constant 0 : i32
    %dma_start3A_5 = arith.constant 0 : i32
    %dma_start3A_6 = tpu.memref_slice %arg7[%dma_start3A_3, %dma_start3A_4, %dma_start3A_5] : memref<4x200x64xf32, #tpu.memory_space<vmem>> -> memref<1x128x64xf32, #tpu.memory_space<vmem>>
    %dma_start3A_7 = tpu.memref_squeeze %dma_start3A_6 : memref<1x128x64xf32, #tpu.memory_space<vmem>> -> memref<128x64xf32, #tpu.memory_space<vmem>>
    %dma_start3A_8 = arith.constant 0 : i32
    %dma_start3A_9 = tpu.memref_slice %arg5[%dma_start3A, %dma_start3A_8] : memref<128x128xi32, #tpu.memory_space<vmem>> -> memref<1x128xi32, #tpu.memory_space<vmem>>
    %dma_start3A_10 = tpu.memref_squeeze %dma_start3A_9 : memref<1x128xi32, #tpu.memory_space<vmem>> -> memref<128xi32, #tpu.memory_space<vmem>>
    %dma_start3A_11 = arith.constant 0 : i32
    %dma_start3A_12 = arith.constant 0 : i32
    %dma_start3A_13 = tpu.memref_slice %arg3[%dma_start3A_11, %dma_start3A_12] : memref<1015808x64xf32, #tpu.memory_space<hbm>> -> memref<1015808x64xf32, #tpu.memory_space<hbm>>
    tpu.enqueue_indirect_dma source(%dma_start3A_13 : memref<1015808x64xf32, #tpu.memory_space<hbm>>) target(%dma_start3A_7 : memref<128x64xf32, #tpu.memory_space<vmem>>) offsets(%dma_start3A_10 : memref<128xi32, #tpu.memory_space<vmem>>) semaphore(%arg9 : memref<!tpu.dma_semaphore, #tpu.memory_space<semaphore_mem>>)
    %dma_start3A_14 = arith.constant 0 : i32
    %dma_start3A_15 = arith.constant 0 : i32
    %dma_start3A_16 = arith.constant 128 : i32
    %dma_start3A_17 = arith.constant 0 : i32
    %dma_start3A_18 = tpu.memref_slice %arg7[%dma_start3A_15, %dma_start3A_16, %dma_start3A_17] : memref<4x200x64xf32, #tpu.memory_space<vmem>> -> memref<1x72x64xf32, #tpu.memory_space<vmem>>
    %dma_start3A_19 = tpu.memref_squeeze %dma_start3A_18 : memref<1x72x64xf32, #tpu.memory_space<vmem>> -> memref<72x64xf32, #tpu.memory_space<vmem>>
    %dma_start3A_20 = arith.constant 0 : i32
    %dma_start3A_21 = tpu.memref_slice %arg6[%dma_start3A_14, %dma_start3A_20] : memref<128x72xi32, #tpu.memory_space<vmem>> -> memref<1x72xi32, #tpu.memory_space<vmem>>
    %dma_start3A_22 = tpu.memref_squeeze %dma_start3A_21 : memref<1x72xi32, #tpu.memory_space<vmem>> -> memref<72xi32, #tpu.memory_space<vmem>>
    %dma_start3A_23 = arith.constant 0 : i32
    %dma_start3A_24 = arith.constant 0 : i32
    %dma_start3A_25 = tpu.memref_slice %arg3[%dma_start3A_23, %dma_start3A_24] : memref<1015808x64xf32, #tpu.memory_space<hbm>> -> memref<1015808x64xf32, #tpu.memory_space<hbm>>
    tpu.enqueue_indirect_dma source(%dma_start3A_25 : memref<1015808x64xf32, #tpu.memory_space<hbm>>) target(%dma_start3A_19 : memref<72x64xf32, #tpu.memory_space<vmem>>) offsets(%dma_start3A_22 : memref<72xi32, #tpu.memory_space<vmem>>) semaphore(%arg9 : memref<!tpu.dma_semaphore, #tpu.memory_space<semaphore_mem>>)
    %dma_start3A_26 = arith.constant 1 : i32
    %dma_start3A_27 = arith.constant 1 : i32
    %dma_start3A_28 = arith.constant 0 : i32
    %dma_start3A_29 = arith.constant 0 : i32
    %dma_start3A_30 = tpu.memref_slice %arg7[%dma_start3A_27, %dma_start3A_28, %dma_start3A_29] : memref<4x200x64xf32, #tpu.memory_space<vmem>> -> memref<1x128x64xf32, #tpu.memory_space<vmem>>
    %dma_start3A_31 = tpu.memref_squeeze %dma_start3A_30 : memref<1x128x64xf32, #tpu.memory_space<vmem>> -> memref<128x64xf32, #tpu.memory_space<vmem>>
    %dma_start3A_32 = arith.constant 0 : i32
    %dma_start3A_33 = tpu.memref_slice %arg5[%dma_start3A_26, %dma_start3A_32] : memref<128x128xi32, #tpu.memory_space<vmem>> -> memref<1x128xi32, #tpu.memory_space<vmem>>
    %dma_start3A_34 = tpu.memref_squeeze %dma_start3A_33 : memref<1x128xi32, #tpu.memory_space<vmem>> -> memref<128xi32, #tpu.memory_space<vmem>>
    %dma_start3A_35 = arith.constant 0 : i32
    %dma_start3A_36 = arith.constant 0 : i32
    %dma_start3A_37 = tpu.memref_slice %arg3[%dma_start3A_35, %dma_start3A_36] : memref<1015808x64xf32, #tpu.memory_space<hbm>> -> memref<1015808x64xf32, #tpu.memory_space<hbm>>
    tpu.enqueue_indirect_dma source(%dma_start3A_37 : memref<1015808x64xf32, #tpu.memory_space<hbm>>) target(%dma_start3A_31 : memref<128x64xf32, #tpu.memory_space<vmem>>) offsets(%dma_start3A_34 : memref<128xi32, #tpu.memory_space<vmem>>) semaphore(%arg10 : memref<!tpu.dma_semaphore, #tpu.memory_space<semaphore_mem>>)
    %dma_start3A_38 = arith.constant 1 : i32
    %dma_start3A_39 = arith.constant 1 : i32
    %dma_start3A_40 = arith.constant 128 : i32
    %dma_start3A_41 = arith.constant 0 : i32
    %dma_start3A_42 = tpu.memref_slice %arg7[%dma_start3A_39, %dma_start3A_40, %dma_start3A_41] : memref<4x200x64xf32, #tpu.memory_space<vmem>> -> memref<1x72x64xf32, #tpu.memory_space<vmem>>
    %dma_start3A_43 = tpu.memref_squeeze %dma_start3A_42 : memref<1x72x64xf32, #tpu.memory_space<vmem>> -> memref<72x64xf32, #tpu.memory_space<vmem>>
    %dma_start3A_44 = arith.constant 0 : i32
    %dma_start3A_45 = tpu.memref_slice %arg6[%dma_start3A_38, %dma_start3A_44] : memref<128x72xi32, #tpu.memory_space<vmem>> -> memref<1x72xi32, #tpu.memory_space<vmem>>
    %dma_start3A_46 = tpu.memref_squeeze %dma_start3A_45 : memref<1x72xi32, #tpu.memory_space<vmem>> -> memref<72xi32, #tpu.memory_space<vmem>>
    %dma_start3A_47 = arith.constant 0 : i32
    %dma_start3A_48 = arith.constant 0 : i32
    %dma_start3A_49 = tpu.memref_slice %arg3[%dma_start3A_47, %dma_start3A_48] : memref<1015808x64xf32, #tpu.memory_space<hbm>> -> memref<1015808x64xf32, #tpu.memory_space<hbm>>
    tpu.enqueue_indirect_dma source(%dma_start3A_49 : memref<1015808x64xf32, #tpu.memory_space<hbm>>) target(%dma_start3A_43 : memref<72x64xf32, #tpu.memory_space<vmem>>) offsets(%dma_start3A_46 : memref<72xi32, #tpu.memory_space<vmem>>) semaphore(%arg10 : memref<!tpu.dma_semaphore, #tpu.memory_space<semaphore_mem>>)
    %dma_start3A_50 = arith.constant 2 : i32
    %dma_start3A_51 = arith.constant 2 : i32
    %dma_start3A_52 = arith.constant 0 : i32
    %dma_start3A_53 = arith.constant 0 : i32
    %dma_start3A_54 = tpu.memref_slice %arg7[%dma_start3A_51, %dma_start3A_52, %dma_start3A_53] : memref<4x200x64xf32, #tpu.memory_space<vmem>> -> memref<1x128x64xf32, #tpu.memory_space<vmem>>
    %dma_start3A_55 = tpu.memref_squeeze %dma_start3A_54 : memref<1x128x64xf32, #tpu.memory_space<vmem>> -> memref<128x64xf32, #tpu.memory_space<vmem>>
    %dma_start3A_56 = arith.constant 0 : i32
    %dma_start3A_57 = tpu.memref_slice %arg5[%dma_start3A_50, %dma_start3A_56] : memref<128x128xi32, #tpu.memory_space<vmem>> -> memref<1x128xi32, #tpu.memory_space<vmem>>
    %dma_start3A_58 = tpu.memref_squeeze %dma_start3A_57 : memref<1x128xi32, #tpu.memory_space<vmem>> -> memref<128xi32, #tpu.memory_space<vmem>>
    %dma_start3A_59 = arith.constant 0 : i32
    %dma_start3A_60 = arith.constant 0 : i32
    %dma_start3A_61 = tpu.memref_slice %arg3[%dma_start3A_59, %dma_start3A_60] : memref<1015808x64xf32, #tpu.memory_space<hbm>> -> memref<1015808x64xf32, #tpu.memory_space<hbm>>
    tpu.enqueue_indirect_dma source(%dma_start3A_61 : memref<1015808x64xf32, #tpu.memory_space<hbm>>) target(%dma_start3A_55 : memref<128x64xf32, #tpu.memory_space<vmem>>) offsets(%dma_start3A_58 : memref<128xi32, #tpu.memory_space<vmem>>) semaphore(%arg11 : memref<!tpu.dma_semaphore, #tpu.memory_space<semaphore_mem>>)
    %dma_start3A_62 = arith.constant 2 : i32
    %dma_start3A_63 = arith.constant 2 : i32
    %dma_start3A_64 = arith.constant 128 : i32
    %dma_start3A_65 = arith.constant 0 : i32
    %dma_start3A_66 = tpu.memref_slice %arg7[%dma_start3A_63, %dma_start3A_64, %dma_start3A_65] : memref<4x200x64xf32, #tpu.memory_space<vmem>> -> memref<1x72x64xf32, #tpu.memory_space<vmem>>
    %dma_start3A_67 = tpu.memref_squeeze %dma_start3A_66 : memref<1x72x64xf32, #tpu.memory_space<vmem>> -> memref<72x64xf32, #tpu.memory_space<vmem>>
    %dma_start3A_68 = arith.constant 0 : i32
    %dma_start3A_69 = tpu.memref_slice %arg6[%dma_start3A_62, %dma_start3A_68] : memref<128x72xi32, #tpu.memory_space<vmem>> -> memref<1x72xi32, #tpu.memory_space<vmem>>
    %dma_start3A_70 = tpu.memref_squeeze %dma_start3A_69 : memref<1x72xi32, #tpu.memory_space<vmem>> -> memref<72xi32, #tpu.memory_space<vmem>>
    %dma_start3A_71 = arith.constant 0 : i32
    %dma_start3A_72 = arith.constant 0 : i32
    %dma_start3A_73 = tpu.memref_slice %arg3[%dma_start3A_71, %dma_start3A_72] : memref<1015808x64xf32, #tpu.memory_space<hbm>> -> memref<1015808x64xf32, #tpu.memory_space<hbm>>
    tpu.enqueue_indirect_dma source(%dma_start3A_73 : memref<1015808x64xf32, #tpu.memory_space<hbm>>) target(%dma_start3A_67 : memref<72x64xf32, #tpu.memory_space<vmem>>) offsets(%dma_start3A_70 : memref<72xi32, #tpu.memory_space<vmem>>) semaphore(%arg11 : memref<!tpu.dma_semaphore, #tpu.memory_space<semaphore_mem>>)
    %dma_start3A_74 = arith.constant 3 : i32
    %dma_start3A_75 = arith.constant 3 : i32
    %dma_start3A_76 = arith.constant 0 : i32
    %dma_start3A_77 = arith.constant 0 : i32
    %dma_start3A_78 = tpu.memref_slice %arg7[%dma_start3A_75, %dma_start3A_76, %dma_start3A_77] : memref<4x200x64xf32, #tpu.memory_space<vmem>> -> memref<1x128x64xf32, #tpu.memory_space<vmem>>
    %dma_start3A_79 = tpu.memref_squeeze %dma_start3A_78 : memref<1x128x64xf32, #tpu.memory_space<vmem>> -> memref<128x64xf32, #tpu.memory_space<vmem>>
    %dma_start3A_80 = arith.constant 0 : i32
    %dma_start3A_81 = tpu.memref_slice %arg5[%dma_start3A_74, %dma_start3A_80] : memref<128x128xi32, #tpu.memory_space<vmem>> -> memref<1x128xi32, #tpu.memory_space<vmem>>
    %dma_start3A_82 = tpu.memref_squeeze %dma_start3A_81 : memref<1x128xi32, #tpu.memory_space<vmem>> -> memref<128xi32, #tpu.memory_space<vmem>>
    %dma_start3A_83 = arith.constant 0 : i32
    %dma_start3A_84 = arith.constant 0 : i32
    %dma_start3A_85 = tpu.memref_slice %arg3[%dma_start3A_83, %dma_start3A_84] : memref<1015808x64xf32, #tpu.memory_space<hbm>> -> memref<1015808x64xf32, #tpu.memory_space<hbm>>
    tpu.enqueue_indirect_dma source(%dma_start3A_85 : memref<1015808x64xf32, #tpu.memory_space<hbm>>) target(%dma_start3A_79 : memref<128x64xf32, #tpu.memory_space<vmem>>) offsets(%dma_start3A_82 : memref<128xi32, #tpu.memory_space<vmem>>) semaphore(%arg12 : memref<!tpu.dma_semaphore, #tpu.memory_space<semaphore_mem>>)
    %dma_start3A_86 = arith.constant 3 : i32
    %dma_start3A_87 = arith.constant 3 : i32
    %dma_start3A_88 = arith.constant 128 : i32
    %dma_start3A_89 = arith.constant 0 : i32
    %dma_start3A_90 = tpu.memref_slice %arg7[%dma_start3A_87, %dma_start3A_88, %dma_start3A_89] : memref<4x200x64xf32, #tpu.memory_space<vmem>> -> memref<1x72x64xf32, #tpu.memory_space<vmem>>
    %dma_start3A_91 = tpu.memref_squeeze %dma_start3A_90 : memref<1x72x64xf32, #tpu.memory_space<vmem>> -> memref<72x64xf32, #tpu.memory_space<vmem>>
    %dma_start3A_92 = arith.constant 0 : i32
    %dma_start3A_93 = tpu.memref_slice %arg6[%dma_start3A_86, %dma_start3A_92] : memref<128x72xi32, #tpu.memory_space<vmem>> -> memref<1x72xi32, #tpu.memory_space<vmem>>
    %dma_start3A_94 = tpu.memref_squeeze %dma_start3A_93 : memref<1x72xi32, #tpu.memory_space<vmem>> -> memref<72xi32, #tpu.memory_space<vmem>>
    %dma_start3A_95 = arith.constant 0 : i32
    %dma_start3A_96 = arith.constant 0 : i32
    %dma_start3A_97 = tpu.memref_slice %arg3[%dma_start3A_95, %dma_start3A_96] : memref<1015808x64xf32, #tpu.memory_space<hbm>> -> memref<1015808x64xf32, #tpu.memory_space<hbm>>
    tpu.enqueue_indirect_dma source(%dma_start3A_97 : memref<1015808x64xf32, #tpu.memory_space<hbm>>) target(%dma_start3A_91 : memref<72x64xf32, #tpu.memory_space<vmem>>) offsets(%dma_start3A_94 : memref<72xi32, #tpu.memory_space<vmem>>) semaphore(%arg12 : memref<!tpu.dma_semaphore, #tpu.memory_space<semaphore_mem>>)
    %scan3A = arith.constant 0 : i32
    %scan3A_98 = arith.constant 5.000000e-03 : f32
    %scan3A_99 = arith.constant 0 : i32
    %scan3A_100 = arith.constant 32 : i32
    %scan3A_101 = arith.addi %scan3A_99, %scan3A_100 : i32
    %scan3A_102 = arith.constant 1 : i32
    scf.for %scan3A_104 = %scan3A_99 to %scan3A_101 step %scan3A_102  : i32 {
      %mul3A_105 = arith.constant 4 : i32
      %mul3A_106 = arith.muli %scan3A_104, %mul3A_105 : i32
      %add3A_107 = arith.constant 0 : i32
      %add3A_108 = arith.addi %mul3A_106, %add3A_107 : i32
      %dma_wait3A = arith.constant 0 : i32
      %dma_wait3A_109 = arith.constant 0 : i32
      %dma_wait3A_110 = arith.constant 0 : i32
      %dma_wait3A_111 = tpu.memref_slice %arg7[%dma_wait3A, %dma_wait3A_109, %dma_wait3A_110] : memref<4x200x64xf32, #tpu.memory_space<vmem>> -> memref<1x128x64xf32, #tpu.memory_space<vmem>>
      %dma_wait3A_112 = tpu.memref_squeeze %dma_wait3A_111 : memref<1x128x64xf32, #tpu.memory_space<vmem>> -> memref<128x64xf32, #tpu.memory_space<vmem>>
      %dma_wait3A_113 = arith.constant 0 : i32
      %dma_wait3A_114 = tpu.memref_slice %arg5[%add3A_108, %dma_wait3A_113] : memref<128x128xi32, #tpu.memory_space<vmem>> -> memref<1x128xi32, #tpu.memory_space<vmem>>
      %dma_wait3A_115 = tpu.memref_squeeze %dma_wait3A_114 : memref<1x128xi32, #tpu.memory_space<vmem>> -> memref<128xi32, #tpu.memory_space<vmem>>
      %dma_wait3A_116 = arith.constant 0 : i32
      %dma_wait3A_117 = arith.constant 0 : i32
      %dma_wait3A_118 = tpu.memref_slice %arg3[%dma_wait3A_116, %dma_wait3A_117] : memref<1015808x64xf32, #tpu.memory_space<hbm>> -> memref<1015808x64xf32, #tpu.memory_space<hbm>>
      tpu.wait_indirect_dma semaphore(%arg9 : memref<!tpu.dma_semaphore, #tpu.memory_space<semaphore_mem>>) src(%dma_wait3A_118 : memref<1015808x64xf32, #tpu.memory_space<hbm>>) dst(%dma_wait3A_112 : memref<128x64xf32, #tpu.memory_space<vmem>>)
      %dma_wait3A_119 = arith.constant 0 : i32
      %dma_wait3A_120 = arith.constant 128 : i32
      %dma_wait3A_121 = arith.constant 0 : i32
      %dma_wait3A_122 = tpu.memref_slice %arg7[%dma_wait3A_119, %dma_wait3A_120, %dma_wait3A_121] : memref<4x200x64xf32, #tpu.memory_space<vmem>> -> memref<1x72x64xf32, #tpu.memory_space<vmem>>
      %dma_wait3A_123 = tpu.memref_squeeze %dma_wait3A_122 : memref<1x72x64xf32, #tpu.memory_space<vmem>> -> memref<72x64xf32, #tpu.memory_space<vmem>>
      %dma_wait3A_124 = arith.constant 0 : i32
      %dma_wait3A_125 = tpu.memref_slice %arg6[%add3A_108, %dma_wait3A_124] : memref<128x72xi32, #tpu.memory_space<vmem>> -> memref<1x72xi32, #tpu.memory_space<vmem>>
      %dma_wait3A_126 = tpu.memref_squeeze %dma_wait3A_125 : memref<1x72xi32, #tpu.memory_space<vmem>> -> memref<72xi32, #tpu.memory_space<vmem>>
      %dma_wait3A_127 = arith.constant 0 : i32
      %dma_wait3A_128 = arith.constant 0 : i32
      %dma_wait3A_129 = tpu.memref_slice %arg3[%dma_wait3A_127, %dma_wait3A_128] : memref<1015808x64xf32, #tpu.memory_space<hbm>> -> memref<1015808x64xf32, #tpu.memory_space<hbm>>
      tpu.wait_indirect_dma semaphore(%arg9 : memref<!tpu.dma_semaphore, #tpu.memory_space<semaphore_mem>>) src(%dma_wait3A_129 : memref<1015808x64xf32, #tpu.memory_space<hbm>>) dst(%dma_wait3A_123 : memref<72x64xf32, #tpu.memory_space<vmem>>)
      %broadcast_in_dim3A = arith.constant 0.000000e+00 : f32
      %broadcast_in_dim3A_130 = vector.broadcast %broadcast_in_dim3A : f32 to vector<16xf32>
      %broadcast_in_dim3A_131 = arith.constant 0.000000e+00 : f32
      %broadcast_in_dim3A_132 = vector.broadcast %broadcast_in_dim3A_131 : f32 to vector<16xf32>
      %broadcast_in_dim3A_133 = arith.constant 0.000000e+00 : f32
      %broadcast_in_dim3A_134 = vector.broadcast %broadcast_in_dim3A_133 : f32 to vector<16xf32>
      %broadcast_in_dim3A_135 = arith.constant 0.000000e+00 : f32
      %broadcast_in_dim3A_136 = vector.broadcast %broadcast_in_dim3A_135 : f32 to vector<16xf32>
      %scan3A_137 = arith.constant 0 : i32
      %scan3A_138 = arith.constant 25 : i32
      %scan3A_139 = arith.addi %scan3A_137, %scan3A_138 : i32
      %scan3A_140 = arith.constant 1 : i32
      %scan3A_141:4 = scf.for %scan3A_399 = %scan3A_137 to %scan3A_139 step %scan3A_140 iter_args(%scan3A_400 = %broadcast_in_dim3A_130, %scan3A_401 = %broadcast_in_dim3A_132, %scan3A_402 = %broadcast_in_dim3A_134, %scan3A_403 = %broadcast_in_dim3A_136) -> (vector<16xf32>, vector<16xf32>, vector<16xf32>, vector<16xf32>)  : i32 {
        %mul3A_404 = arith.constant 8 : i32
        %mul3A_405 = arith.muli %scan3A_399, %mul3A_404 : i32
        %add3A_406 = arith.constant 0 : i32
        %add3A_407 = arith.addi %mul3A_405, %add3A_406 : i32
        %get3A = arith.constant 0 : i32
        %get3A_408 = arith.index_cast %get3A : i32 to index
        %get3A_409 = arith.index_cast %add3A_407 : i32 to index
        %get3A_410 = arith.constant 0 : index
        %get3A_411 = tpu.vector_load %arg7[%get3A_408, %get3A_409, %get3A_410] {strides = array<i32>} : memref<4x200x64xf32, #tpu.memory_space<vmem>>, vector<1x1x16xf32>,
        %get3A_412 = vector.shape_cast %get3A_411 : vector<1x1x16xf32> to vector<16xf32>
        %add3A_413 = arith.addf %scan3A_400, %get3A_412 : vector<16xf32>
        %get3A_414 = arith.constant 0 : i32
        %get3A_415 = arith.index_cast %get3A_414 : i32 to index
        %get3A_416 = arith.index_cast %add3A_407 : i32 to index
        %get3A_417 = arith.constant 16 : index
        %get3A_418 = tpu.vector_load %arg7[%get3A_415, %get3A_416, %get3A_417] {strides = array<i32>} : memref<4x200x64xf32, #tpu.memory_space<vmem>>, vector<1x1x16xf32>,
        %get3A_419 = vector.shape_cast %get3A_418 : vector<1x1x16xf32> to vector<16xf32>
        %add3A_420 = arith.addf %scan3A_401, %get3A_419 : vector<16xf32>
        %get3A_421 = arith.constant 0 : i32
        %get3A_422 = arith.index_cast %get3A_421 : i32 to index
        %get3A_423 = arith.index_cast %add3A_407 : i32 to index
        %get3A_424 = arith.constant 32 : index
        %get3A_425 = tpu.vector_load %arg7[%get3A_422, %get3A_423, %get3A_424] {strides = array<i32>} : memref<4x200x64xf32, #tpu.memory_space<vmem>>, vector<1x1x16xf32>,
        %get3A_426 = vector.shape_cast %get3A_425 : vector<1x1x16xf32> to vector<16xf32>
        %add3A_427 = arith.addf %scan3A_402, %get3A_426 : vector<16xf32>
        %get3A_428 = arith.constant 0 : i32
        %get3A_429 = arith.index_cast %get3A_428 : i32 to index
        %get3A_430 = arith.index_cast %add3A_407 : i32 to index
        %get3A_431 = arith.constant 48 : index
        %get3A_432 = tpu.vector_load %arg7[%get3A_429, %get3A_430, %get3A_431] {strides = array<i32>} : memref<4x200x64xf32, #tpu.memory_space<vmem>>, vector<1x1x16xf32>,
        %get3A_433 = vector.shape_cast %get3A_432 : vector<1x1x16xf32> to vector<16xf32>
        %add3A_434 = arith.addf %scan3A_403, %get3A_433 : vector<16xf32>
        %mul3A_435 = arith.constant 8 : i32
        %mul3A_436 = arith.muli %scan3A_399, %mul3A_435 : i32
        %add3A_437 = arith.constant 1 : i32
        %add3A_438 = arith.addi %mul3A_436, %add3A_437 : i32
        %get3A_439 = arith.constant 0 : i32
        %get3A_440 = arith.index_cast %get3A_439 : i32 to index
        %get3A_441 = arith.index_cast %add3A_438 : i32 to index
        %get3A_442 = arith.constant 0 : index
        %get3A_443 = tpu.vector_load %arg7[%get3A_440, %get3A_441, %get3A_442] {strides = array<i32>} : memref<4x200x64xf32, #tpu.memory_space<vmem>>, vector<1x1x16xf32>,
        %get3A_444 = vector.shape_cast %get3A_443 : vector<1x1x16xf32> to vector<16xf32>
        %add3A_445 = arith.addf %add3A_413, %get3A_444 : vector<16xf32>
        %get3A_446 = arith.constant 0 : i32
        %get3A_447 = arith.index_cast %get3A_446 : i32 to index
        %get3A_448 = arith.index_cast %add3A_438 : i32 to index
        %get3A_449 = arith.constant 16 : index
        %get3A_450 = tpu.vector_load %arg7[%get3A_447, %get3A_448, %get3A_449] {strides = array<i32>} : memref<4x200x64xf32, #tpu.memory_space<vmem>>, vector<1x1x16xf32>,
        %get3A_451 = vector.shape_cast %get3A_450 : vector<1x1x16xf32> to vector<16xf32>
        %add3A_452 = arith.addf %add3A_420, %get3A_451 : vector<16xf32>
        %get3A_453 = arith.constant 0 : i32
        %get3A_454 = arith.index_cast %get3A_453 : i32 to index
        %get3A_455 = arith.index_cast %add3A_438 : i32 to index
        %get3A_456 = arith.constant 32 : index
        %get3A_457 = tpu.vector_load %arg7[%get3A_454, %get3A_455, %get3A_456] {strides = array<i32>} : memref<4x200x64xf32, #tpu.memory_space<vmem>>, vector<1x1x16xf32>,
        %get3A_458 = vector.shape_cast %get3A_457 : vector<1x1x16xf32> to vector<16xf32>
        %add3A_459 = arith.addf %add3A_427, %get3A_458 : vector<16xf32>
        %get3A_460 = arith.constant 0 : i32
        %get3A_461 = arith.index_cast %get3A_460 : i32 to index
        %get3A_462 = arith.index_cast %add3A_438 : i32 to index
        %get3A_463 = arith.constant 48 : index
        %get3A_464 = tpu.vector_load %arg7[%get3A_461, %get3A_462, %get3A_463] {strides = array<i32>} : memref<4x200x64xf32, #tpu.memory_space<vmem>>, vector<1x1x16xf32>,
        %get3A_465 = vector.shape_cast %get3A_464 : vector<1x1x16xf32> to vector<16xf32>
        %add3A_466 = arith.addf %add3A_434, %get3A_465 : vector<16xf32>
        %mul3A_467 = arith.constant 8 : i32
        %mul3A_468 = arith.muli %scan3A_399, %mul3A_467 : i32
        %add3A_469 = arith.constant 2 : i32
        %add3A_470 = arith.addi %mul3A_468, %add3A_469 : i32
        %get3A_471 = arith.constant 0 : i32
        %get3A_472 = arith.index_cast %get3A_471 : i32 to index
        %get3A_473 = arith.index_cast %add3A_470 : i32 to index
        %get3A_474 = arith.constant 0 : index
        %get3A_475 = tpu.vector_load %arg7[%get3A_472, %get3A_473, %get3A_474] {strides = array<i32>} : memref<4x200x64xf32, #tpu.memory_space<vmem>>, vector<1x1x16xf32>,
        %get3A_476 = vector.shape_cast %get3A_475 : vector<1x1x16xf32> to vector<16xf32>
        %add3A_477 = arith.addf %add3A_445, %get3A_476 : vector<16xf32>
        %get3A_478 = arith.constant 0 : i32
        %get3A_479 = arith.index_cast %get3A_478 : i32 to index
        %get3A_480 = arith.index_cast %add3A_470 : i32 to index
        %get3A_481 = arith.constant 16 : index
        %get3A_482 = tpu.vector_load %arg7[%get3A_479, %get3A_480, %get3A_481] {strides = array<i32>} : memref<4x200x64xf32, #tpu.memory_space<vmem>>, vector<1x1x16xf32>,
        %get3A_483 = vector.shape_cast %get3A_482 : vector<1x1x16xf32> to vector<16xf32>
        %add3A_484 = arith.addf %add3A_452, %get3A_483 : vector<16xf32>
        %get3A_485 = arith.constant 0 : i32
        %get3A_486 = arith.index_cast %get3A_485 : i32 to index
        %get3A_487 = arith.index_cast %add3A_470 : i32 to index
        %get3A_488 = arith.constant 32 : index
        %get3A_489 = tpu.vector_load %arg7[%get3A_486, %get3A_487, %get3A_488] {strides = array<i32>} : memref<4x200x64xf32, #tpu.memory_space<vmem>>, vector<1x1x16xf32>,
        %get3A_490 = vector.shape_cast %get3A_489 : vector<1x1x16xf32> to vector<16xf32>
        %add3A_491 = arith.addf %add3A_459, %get3A_490 : vector<16xf32>
        %get3A_492 = arith.constant 0 : i32
        %get3A_493 = arith.index_cast %get3A_492 : i32 to index
        %get3A_494 = arith.index_cast %add3A_470 : i32 to index
        %get3A_495 = arith.constant 48 : index
        %get3A_496 = tpu.vector_load %arg7[%get3A_493, %get3A_494, %get3A_495] {strides = array<i32>} : memref<4x200x64xf32, #tpu.memory_space<vmem>>, vector<1x1x16xf32>,
        %get3A_497 = vector.shape_cast %get3A_496 : vector<1x1x16xf32> to vector<16xf32>
        %add3A_498 = arith.addf %add3A_466, %get3A_497 : vector<16xf32>
        %mul3A_499 = arith.constant 8 : i32
        %mul3A_500 = arith.muli %scan3A_399, %mul3A_499 : i32
        %add3A_501 = arith.constant 3 : i32
        %add3A_502 = arith.addi %mul3A_500, %add3A_501 : i32
        %get3A_503 = arith.constant 0 : i32
        %get3A_504 = arith.index_cast %get3A_503 : i32 to index
        %get3A_505 = arith.index_cast %add3A_502 : i32 to index
        %get3A_506 = arith.constant 0 : index
        %get3A_507 = tpu.vector_load %arg7[%get3A_504, %get3A_505, %get3A_506] {strides = array<i32>} : memref<4x200x64xf32, #tpu.memory_space<vmem>>, vector<1x1x16xf32>,
        %get3A_508 = vector.shape_cast %get3A_507 : vector<1x1x16xf32> to vector<16xf32>
        %add3A_509 = arith.addf %add3A_477, %get3A_508 : vector<16xf32>
        %get3A_510 = arith.constant 0 : i32
        %get3A_511 = arith.index_cast %get3A_510 : i32 to index
        %get3A_512 = arith.index_cast %add3A_502 : i32 to index
        %get3A_513 = arith.constant 16 : index
        %get3A_514 = tpu.vector_load %arg7[%get3A_511, %get3A_512, %get3A_513] {strides = array<i32>} : memref<4x200x64xf32, #tpu.memory_space<vmem>>, vector<1x1x16xf32>,
        %get3A_515 = vector.shape_cast %get3A_514 : vector<1x1x16xf32> to vector<16xf32>
        %add3A_516 = arith.addf %add3A_484, %get3A_515 : vector<16xf32>
        %get3A_517 = arith.constant 0 : i32
        %get3A_518 = arith.index_cast %get3A_517 : i32 to index
        %get3A_519 = arith.index_cast %add3A_502 : i32 to index
        %get3A_520 = arith.constant 32 : index
        %get3A_521 = tpu.vector_load %arg7[%get3A_518, %get3A_519, %get3A_520] {strides = array<i32>} : memref<4x200x64xf32, #tpu.memory_space<vmem>>, vector<1x1x16xf32>,
        %get3A_522 = vector.shape_cast %get3A_521 : vector<1x1x16xf32> to vector<16xf32>
        %add3A_523 = arith.addf %add3A_491, %get3A_522 : vector<16xf32>
        %get3A_524 = arith.constant 0 : i32
        %get3A_525 = arith.index_cast %get3A_524 : i32 to index
        %get3A_526 = arith.index_cast %add3A_502 : i32 to index
        %get3A_527 = arith.constant 48 : index
        %get3A_528 = tpu.vector_load %arg7[%get3A_525, %get3A_526, %get3A_527] {strides = array<i32>} : memref<4x200x64xf32, #tpu.memory_space<vmem>>, vector<1x1x16xf32>,
        %get3A_529 = vector.shape_cast %get3A_528 : vector<1x1x16xf32> to vector<16xf32>
        %add3A_530 = arith.addf %add3A_498, %get3A_529 : vector<16xf32>
        %mul3A_531 = arith.constant 8 : i32
        %mul3A_532 = arith.muli %scan3A_399, %mul3A_531 : i32
        %add3A_533 = arith.constant 4 : i32
        %add3A_534 = arith.addi %mul3A_532, %add3A_533 : i32
        %get3A_535 = arith.constant 0 : i32
        %get3A_536 = arith.index_cast %get3A_535 : i32 to index
        %get3A_537 = arith.index_cast %add3A_534 : i32 to index
        %get3A_538 = arith.constant 0 : index
        %get3A_539 = tpu.vector_load %arg7[%get3A_536, %get3A_537, %get3A_538] {strides = array<i32>} : memref<4x200x64xf32, #tpu.memory_space<vmem>>, vector<1x1x16xf32>,
        %get3A_540 = vector.shape_cast %get3A_539 : vector<1x1x16xf32> to vector<16xf32>
        %add3A_541 = arith.addf %add3A_509, %get3A_540 : vector<16xf32>
        %get3A_542 = arith.constant 0 : i32
        %get3A_543 = arith.index_cast %get3A_542 : i32 to index
        %get3A_544 = arith.index_cast %add3A_534 : i32 to index
        %get3A_545 = arith.constant 16 : index
        %get3A_546 = tpu.vector_load %arg7[%get3A_543, %get3A_544, %get3A_545] {strides = array<i32>} : memref<4x200x64xf32, #tpu.memory_space<vmem>>, vector<1x1x16xf32>,
        %get3A_547 = vector.shape_cast %get3A_546 : vector<1x1x16xf32> to vector<16xf32>
        %add3A_548 = arith.addf %add3A_516, %get3A_547 : vector<16xf32>
        %get3A_549 = arith.constant 0 : i32
        %get3A_550 = arith.index_cast %get3A_549 : i32 to index
        %get3A_551 = arith.index_cast %add3A_534 : i32 to index
        %get3A_552 = arith.constant 32 : index
        %get3A_553 = tpu.vector_load %arg7[%get3A_550, %get3A_551, %get3A_552] {strides = array<i32>} : memref<4x200x64xf32, #tpu.memory_space<vmem>>, vector<1x1x16xf32>,
        %get3A_554 = vector.shape_cast %get3A_553 : vector<1x1x16xf32> to vector<16xf32>
        %add3A_555 = arith.addf %add3A_523, %get3A_554 : vector<16xf32>
        %get3A_556 = arith.constant 0 : i32
        %get3A_557 = arith.index_cast %get3A_556 : i32 to index
        %get3A_558 = arith.index_cast %add3A_534 : i32 to index
        %get3A_559 = arith.constant 48 : index
        %get3A_560 = tpu.vector_load %arg7[%get3A_557, %get3A_558, %get3A_559] {strides = array<i32>} : memref<4x200x64xf32, #tpu.memory_space<vmem>>, vector<1x1x16xf32>,
        %get3A_561 = vector.shape_cast %get3A_560 : vector<1x1x16xf32> to vector<16xf32>
        %add3A_562 = arith.addf %add3A_530, %get3A_561 : vector<16xf32>
        %mul3A_563 = arith.constant 8 : i32
        %mul3A_564 = arith.muli %scan3A_399, %mul3A_563 : i32
        %add3A_565 = arith.constant 5 : i32
        %add3A_566 = arith.addi %mul3A_564, %add3A_565 : i32
        %get3A_567 = arith.constant 0 : i32
        %get3A_568 = arith.index_cast %get3A_567 : i32 to index
        %get3A_569 = arith.index_cast %add3A_566 : i32 to index
        %get3A_570 = arith.constant 0 : index
        %get3A_571 = tpu.vector_load %arg7[%get3A_568, %get3A_569, %get3A_570] {strides = array<i32>} : memref<4x200x64xf32, #tpu.memory_space<vmem>>, vector<1x1x16xf32>,
        %get3A_572 = vector.shape_cast %get3A_571 : vector<1x1x16xf32> to vector<16xf32>
        %add3A_573 = arith.addf %add3A_541, %get3A_572 : vector<16xf32>
        %get3A_574 = arith.constant 0 : i32
        %get3A_575 = arith.index_cast %get3A_574 : i32 to index
        %get3A_576 = arith.index_cast %add3A_566 : i32 to index
        %get3A_577 = arith.constant 16 : index
        %get3A_578 = tpu.vector_load %arg7[%get3A_575, %get3A_576, %get3A_577] {strides = array<i32>} : memref<4x200x64xf32, #tpu.memory_space<vmem>>, vector<1x1x16xf32>,
        %get3A_579 = vector.shape_cast %get3A_578 : vector<1x1x16xf32> to vector<16xf32>
        %add3A_580 = arith.addf %add3A_548, %get3A_579 : vector<16xf32>
        %get3A_581 = arith.constant 0 : i32
        %get3A_582 = arith.index_cast %get3A_581 : i32 to index
        %get3A_583 = arith.index_cast %add3A_566 : i32 to index
        %get3A_584 = arith.constant 32 : index
        %get3A_585 = tpu.vector_load %arg7[%get3A_582, %get3A_583, %get3A_584] {strides = array<i32>} : memref<4x200x64xf32, #tpu.memory_space<vmem>>, vector<1x1x16xf32>,
        %get3A_586 = vector.shape_cast %get3A_585 : vector<1x1x16xf32> to vector<16xf32>
        %add3A_587 = arith.addf %add3A_555, %get3A_586 : vector<16xf32>
        %get3A_588 = arith.constant 0 : i32
        %get3A_589 = arith.index_cast %get3A_588 : i32 to index
        %get3A_590 = arith.index_cast %add3A_566 : i32 to index
        %get3A_591 = arith.constant 48 : index
        %get3A_592 = tpu.vector_load %arg7[%get3A_589, %get3A_590, %get3A_591] {strides = array<i32>} : memref<4x200x64xf32, #tpu.memory_space<vmem>>, vector<1x1x16xf32>,
        %get3A_593 = vector.shape_cast %get3A_592 : vector<1x1x16xf32> to vector<16xf32>
        %add3A_594 = arith.addf %add3A_562, %get3A_593 : vector<16xf32>
        %mul3A_595 = arith.constant 8 : i32
        %mul3A_596 = arith.muli %scan3A_399, %mul3A_595 : i32
        %add3A_597 = arith.constant 6 : i32
        %add3A_598 = arith.addi %mul3A_596, %add3A_597 : i32
        %get3A_599 = arith.constant 0 : i32
        %get3A_600 = arith.index_cast %get3A_599 : i32 to index
        %get3A_601 = arith.index_cast %add3A_598 : i32 to index
        %get3A_602 = arith.constant 0 : index
        %get3A_603 = tpu.vector_load %arg7[%get3A_600, %get3A_601, %get3A_602] {strides = array<i32>} : memref<4x200x64xf32, #tpu.memory_space<vmem>>, vector<1x1x16xf32>,
        %get3A_604 = vector.shape_cast %get3A_603 : vector<1x1x16xf32> to vector<16xf32>
        %add3A_605 = arith.addf %add3A_573, %get3A_604 : vector<16xf32>
        %get3A_606 = arith.constant 0 : i32
        %get3A_607 = arith.index_cast %get3A_606 : i32 to index
        %get3A_608 = arith.index_cast %add3A_598 : i32 to index
        %get3A_609 = arith.constant 16 : index
        %get3A_610 = tpu.vector_load %arg7[%get3A_607, %get3A_608, %get3A_609] {strides = array<i32>} : memref<4x200x64xf32, #tpu.memory_space<vmem>>, vector<1x1x16xf32>,
        %get3A_611 = vector.shape_cast %get3A_610 : vector<1x1x16xf32> to vector<16xf32>
        %add3A_612 = arith.addf %add3A_580, %get3A_611 : vector<16xf32>
        %get3A_613 = arith.constant 0 : i32
        %get3A_614 = arith.index_cast %get3A_613 : i32 to index
        %get3A_615 = arith.index_cast %add3A_598 : i32 to index
        %get3A_616 = arith.constant 32 : index
        %get3A_617 = tpu.vector_load %arg7[%get3A_614, %get3A_615, %get3A_616] {strides = array<i32>} : memref<4x200x64xf32, #tpu.memory_space<vmem>>, vector<1x1x16xf32>,
        %get3A_618 = vector.shape_cast %get3A_617 : vector<1x1x16xf32> to vector<16xf32>
        %add3A_619 = arith.addf %add3A_587, %get3A_618 : vector<16xf32>
        %get3A_620 = arith.constant 0 : i32
        %get3A_621 = arith.index_cast %get3A_620 : i32 to index
        %get3A_622 = arith.index_cast %add3A_598 : i32 to index
        %get3A_623 = arith.constant 48 : index
        %get3A_624 = tpu.vector_load %arg7[%get3A_621, %get3A_622, %get3A_623] {strides = array<i32>} : memref<4x200x64xf32, #tpu.memory_space<vmem>>, vector<1x1x16xf32>,
        %get3A_625 = vector.shape_cast %get3A_624 : vector<1x1x16xf32> to vector<16xf32>
        %add3A_626 = arith.addf %add3A_594, %get3A_625 : vector<16xf32>
        %mul3A_627 = arith.constant 8 : i32
        %mul3A_628 = arith.muli %scan3A_399, %mul3A_627 : i32
        %add3A_629 = arith.constant 7 : i32
        %add3A_630 = arith.addi %mul3A_628, %add3A_629 : i32
        %get3A_631 = arith.constant 0 : i32
        %get3A_632 = arith.index_cast %get3A_631 : i32 to index
        %get3A_633 = arith.index_cast %add3A_630 : i32 to index
        %get3A_634 = arith.constant 0 : index
        %get3A_635 = tpu.vector_load %arg7[%get3A_632, %get3A_633, %get3A_634] {strides = array<i32>} : memref<4x200x64xf32, #tpu.memory_space<vmem>>, vector<1x1x16xf32>,
        %get3A_636 = vector.shape_cast %get3A_635 : vector<1x1x16xf32> to vector<16xf32>
        %add3A_637 = arith.addf %add3A_605, %get3A_636 : vector<16xf32>
        %get3A_638 = arith.constant 0 : i32
        %get3A_639 = arith.index_cast %get3A_638 : i32 to index
        %get3A_640 = arith.index_cast %add3A_630 : i32 to index
        %get3A_641 = arith.constant 16 : index
        %get3A_642 = tpu.vector_load %arg7[%get3A_639, %get3A_640, %get3A_641] {strides = array<i32>} : memref<4x200x64xf32, #tpu.memory_space<vmem>>, vector<1x1x16xf32>,
        %get3A_643 = vector.shape_cast %get3A_642 : vector<1x1x16xf32> to vector<16xf32>
        %add3A_644 = arith.addf %add3A_612, %get3A_643 : vector<16xf32>
        %get3A_645 = arith.constant 0 : i32
        %get3A_646 = arith.index_cast %get3A_645 : i32 to index
        %get3A_647 = arith.index_cast %add3A_630 : i32 to index
        %get3A_648 = arith.constant 32 : index
        %get3A_649 = tpu.vector_load %arg7[%get3A_646, %get3A_647, %get3A_648] {strides = array<i32>} : memref<4x200x64xf32, #tpu.memory_space<vmem>>, vector<1x1x16xf32>,
        %get3A_650 = vector.shape_cast %get3A_649 : vector<1x1x16xf32> to vector<16xf32>
        %add3A_651 = arith.addf %add3A_619, %get3A_650 : vector<16xf32>
        %get3A_652 = arith.constant 0 : i32
        %get3A_653 = arith.index_cast %get3A_652 : i32 to index
        %get3A_654 = arith.index_cast %add3A_630 : i32 to index
        %get3A_655 = arith.constant 48 : index
        %get3A_656 = tpu.vector_load %arg7[%get3A_653, %get3A_654, %get3A_655] {strides = array<i32>} : memref<4x200x64xf32, #tpu.memory_space<vmem>>, vector<1x1x16xf32>,
        %get3A_657 = vector.shape_cast %get3A_656 : vector<1x1x16xf32> to vector<16xf32>
        %add3A_658 = arith.addf %add3A_626, %get3A_657 : vector<16xf32>
        scf.yield %add3A_637, %add3A_644, %add3A_651, %add3A_658 : vector<16xf32>, vector<16xf32>, vector<16xf32>, vector<16xf32>
      }
      %scan3A_142 = arith.constant 25 : i32
      %add3A_143 = arith.constant 4 : i32
      %add3A_144 = arith.addi %add3A_108, %add3A_143 : i32
      %lt3A = arith.constant 128 : i32
      %lt3A_145 = arith.cmpi slt, %add3A_144, %lt3A : i32
      %convert_element_type3A = arith.extui %lt3A_145 : i1 to i32
      %cond3A = arith.constant 0 : i32
      %cond3A_146 = arith.cmpi ne, %convert_element_type3A, %cond3A : i32
      scf.if %cond3A_146 {
        %dma_start3A_399 = arith.constant 0 : i32
        %dma_start3A_400 = arith.constant 0 : i32
        %dma_start3A_401 = arith.constant 0 : i32
        %dma_start3A_402 = tpu.memref_slice %arg7[%dma_start3A_399, %dma_start3A_400, %dma_start3A_401] : memref<4x200x64xf32, #tpu.memory_space<vmem>> -> memref<1x128x64xf32, #tpu.memory_space<vmem>>
        %dma_start3A_403 = tpu.memref_squeeze %dma_start3A_402 : memref<1x128x64xf32, #tpu.memory_space<vmem>> -> memref<128x64xf32, #tpu.memory_space<vmem>>
        %dma_start3A_404 = arith.constant 0 : i32
        %dma_start3A_405 = tpu.memref_slice %arg5[%add3A_144, %dma_start3A_404] : memref<128x128xi32, #tpu.memory_space<vmem>> -> memref<1x128xi32, #tpu.memory_space<vmem>>
        %dma_start3A_406 = tpu.memref_squeeze %dma_start3A_405 : memref<1x128xi32, #tpu.memory_space<vmem>> -> memref<128xi32, #tpu.memory_space<vmem>>
        %dma_start3A_407 = arith.constant 0 : i32
        %dma_start3A_408 = arith.constant 0 : i32
        %dma_start3A_409 = tpu.memref_slice %arg3[%dma_start3A_407, %dma_start3A_408] : memref<1015808x64xf32, #tpu.memory_space<hbm>> -> memref<1015808x64xf32, #tpu.memory_space<hbm>>
        tpu.enqueue_indirect_dma source(%dma_start3A_409 : memref<1015808x64xf32, #tpu.memory_space<hbm>>) target(%dma_start3A_403 : memref<128x64xf32, #tpu.memory_space<vmem>>) offsets(%dma_start3A_406 : memref<128xi32, #tpu.memory_space<vmem>>) semaphore(%arg9 : memref<!tpu.dma_semaphore, #tpu.memory_space<semaphore_mem>>)
        %dma_start3A_410 = arith.constant 0 : i32
        %dma_start3A_411 = arith.constant 128 : i32
        %dma_start3A_412 = arith.constant 0 : i32
        %dma_start3A_413 = tpu.memref_slice %arg7[%dma_start3A_410, %dma_start3A_411, %dma_start3A_412] : memref<4x200x64xf32, #tpu.memory_space<vmem>> -> memref<1x72x64xf32, #tpu.memory_space<vmem>>
        %dma_start3A_414 = tpu.memref_squeeze %dma_start3A_413 : memref<1x72x64xf32, #tpu.memory_space<vmem>> -> memref<72x64xf32, #tpu.memory_space<vmem>>
        %dma_start3A_415 = arith.constant 0 : i32
        %dma_start3A_416 = tpu.memref_slice %arg6[%add3A_144, %dma_start3A_415] : memref<128x72xi32, #tpu.memory_space<vmem>> -> memref<1x72xi32, #tpu.memory_space<vmem>>
        %dma_start3A_417 = tpu.memref_squeeze %dma_start3A_416 : memref<1x72xi32, #tpu.memory_space<vmem>> -> memref<72xi32, #tpu.memory_space<vmem>>
        %dma_start3A_418 = arith.constant 0 : i32
        %dma_start3A_419 = arith.constant 0 : i32
        %dma_start3A_420 = tpu.memref_slice %arg3[%dma_start3A_418, %dma_start3A_419] : memref<1015808x64xf32, #tpu.memory_space<hbm>> -> memref<1015808x64xf32, #tpu.memory_space<hbm>>
        tpu.enqueue_indirect_dma source(%dma_start3A_420 : memref<1015808x64xf32, #tpu.memory_space<hbm>>) target(%dma_start3A_414 : memref<72x64xf32, #tpu.memory_space<vmem>>) offsets(%dma_start3A_417 : memref<72xi32, #tpu.memory_space<vmem>>) semaphore(%arg9 : memref<!tpu.dma_semaphore, #tpu.memory_space<semaphore_mem>>)
      } else {
      }
      %mul3A_147 = vector.broadcast %scan3A_98 : f32 to vector<16xf32>
      %mul3A_148 = arith.mulf %scan3A_141#0, %mul3A_147 : vector<16xf32>
      %swap3A = arith.index_cast %add3A_108 : i32 to index
      %swap3A_149 = arith.constant 0 : index
      %swap3A_150 = tpu.vector_load %arg8[%swap3A, %swap3A_149] {strides = array<i32>} : memref<128x64xf32, #tpu.memory_space<vmem>>, vector<1x16xf32>,
      %swap3A_151 = vector.shape_cast %swap3A_150 : vector<1x16xf32> to vector<16xf32>
      %swap3A_152 = vector.shape_cast %mul3A_148 : vector<16xf32> to vector<1x16xf32>
      tpu.vector_store %arg8[%swap3A, %swap3A_149], %swap3A_152 {strides = array<i32>} : memref<128x64xf32, #tpu.memory_space<vmem>>, vector<1x16xf32>,
      %mul3A_153 = vector.broadcast %scan3A_98 : f32 to vector<16xf32>
      %mul3A_154 = arith.mulf %scan3A_141#1, %mul3A_153 : vector<16xf32>
      %swap3A_155 = arith.index_cast %add3A_108 : i32 to index
      %swap3A_156 = arith.constant 16 : index
      %swap3A_157 = tpu.vector_load %arg8[%swap3A_155, %swap3A_156] {strides = array<i32>} : memref<128x64xf32, #tpu.memory_space<vmem>>, vector<1x16xf32>,
      %swap3A_158 = vector.shape_cast %swap3A_157 : vector<1x16xf32> to vector<16xf32>
      %swap3A_159 = vector.shape_cast %mul3A_154 : vector<16xf32> to vector<1x16xf32>
      tpu.vector_store %arg8[%swap3A_155, %swap3A_156], %swap3A_159 {strides = array<i32>} : memref<128x64xf32, #tpu.memory_space<vmem>>, vector<1x16xf32>,
      %mul3A_160 = vector.broadcast %scan3A_98 : f32 to vector<16xf32>
      %mul3A_161 = arith.mulf %scan3A_141#2, %mul3A_160 : vector<16xf32>
      %swap3A_162 = arith.index_cast %add3A_108 : i32 to index
      %swap3A_163 = arith.constant 32 : index
      %swap3A_164 = tpu.vector_load %arg8[%swap3A_162, %swap3A_163] {strides = array<i32>} : memref<128x64xf32, #tpu.memory_space<vmem>>, vector<1x16xf32>,
      %swap3A_165 = vector.shape_cast %swap3A_164 : vector<1x16xf32> to vector<16xf32>
      %swap3A_166 = vector.shape_cast %mul3A_161 : vector<16xf32> to vector<1x16xf32>
      tpu.vector_store %arg8[%swap3A_162, %swap3A_163], %swap3A_166 {strides = array<i32>} : memref<128x64xf32, #tpu.memory_space<vmem>>, vector<1x16xf32>,
      %mul3A_167 = vector.broadcast %scan3A_98 : f32 to vector<16xf32>
      %mul3A_168 = arith.mulf %scan3A_141#3, %mul3A_167 : vector<16xf32>
      %swap3A_169 = arith.index_cast %add3A_108 : i32 to index
      %swap3A_170 = arith.constant 48 : index
      %swap3A_171 = tpu.vector_load %arg8[%swap3A_169, %swap3A_170] {strides = array<i32>} : memref<128x64xf32, #tpu.memory_space<vmem>>, vector<1x16xf32>,
      %swap3A_172 = vector.shape_cast %swap3A_171 : vector<1x16xf32> to vector<16xf32>
      %swap3A_173 = vector.shape_cast %mul3A_168 : vector<16xf32> to vector<1x16xf32>
      tpu.vector_store %arg8[%swap3A_169, %swap3A_170], %swap3A_173 {strides = array<i32>} : memref<128x64xf32, #tpu.memory_space<vmem>>, vector<1x16xf32>,
      %mul3A_174 = arith.constant 4 : i32
      %mul3A_175 = arith.muli %scan3A_104, %mul3A_174 : i32
      %add3A_176 = arith.constant 1 : i32
      %add3A_177 = arith.addi %mul3A_175, %add3A_176 : i32
      %dma_wait3A_178 = arith.constant 1 : i32
      %dma_wait3A_179 = arith.constant 0 : i32
      %dma_wait3A_180 = arith.constant 0 : i32
      %dma_wait3A_181 = tpu.memref_slice %arg7[%dma_wait3A_178, %dma_wait3A_179, %dma_wait3A_180] : memref<4x200x64xf32, #tpu.memory_space<vmem>> -> memref<1x128x64xf32, #tpu.memory_space<vmem>>
      %dma_wait3A_182 = tpu.memref_squeeze %dma_wait3A_181 : memref<1x128x64xf32, #tpu.memory_space<vmem>> -> memref<128x64xf32, #tpu.memory_space<vmem>>
      %dma_wait3A_183 = arith.constant 0 : i32
      %dma_wait3A_184 = tpu.memref_slice %arg5[%add3A_177, %dma_wait3A_183] : memref<128x128xi32, #tpu.memory_space<vmem>> -> memref<1x128xi32, #tpu.memory_space<vmem>>
      %dma_wait3A_185 = tpu.memref_squeeze %dma_wait3A_184 : memref<1x128xi32, #tpu.memory_space<vmem>> -> memref<128xi32, #tpu.memory_space<vmem>>
      %dma_wait3A_186 = arith.constant 0 : i32
      %dma_wait3A_187 = arith.constant 0 : i32
      %dma_wait3A_188 = tpu.memref_slice %arg3[%dma_wait3A_186, %dma_wait3A_187] : memref<1015808x64xf32, #tpu.memory_space<hbm>> -> memref<1015808x64xf32, #tpu.memory_space<hbm>>
      tpu.wait_indirect_dma semaphore(%arg10 : memref<!tpu.dma_semaphore, #tpu.memory_space<semaphore_mem>>) src(%dma_wait3A_188 : memref<1015808x64xf32, #tpu.memory_space<hbm>>) dst(%dma_wait3A_182 : memref<128x64xf32, #tpu.memory_space<vmem>>)
      %dma_wait3A_189 = arith.constant 1 : i32
      %dma_wait3A_190 = arith.constant 128 : i32
      %dma_wait3A_191 = arith.constant 0 : i32
      %dma_wait3A_192 = tpu.memref_slice %arg7[%dma_wait3A_189, %dma_wait3A_190, %dma_wait3A_191] : memref<4x200x64xf32, #tpu.memory_space<vmem>> -> memref<1x72x64xf32, #tpu.memory_space<vmem>>
      %dma_wait3A_193 = tpu.memref_squeeze %dma_wait3A_192 : memref<1x72x64xf32, #tpu.memory_space<vmem>> -> memref<72x64xf32, #tpu.memory_space<vmem>>
      %dma_wait3A_194 = arith.constant 0 : i32
      %dma_wait3A_195 = tpu.memref_slice %arg6[%add3A_177, %dma_wait3A_194] : memref<128x72xi32, #tpu.memory_space<vmem>> -> memref<1x72xi32, #tpu.memory_space<vmem>>
      %dma_wait3A_196 = tpu.memref_squeeze %dma_wait3A_195 : memref<1x72xi32, #tpu.memory_space<vmem>> -> memref<72xi32, #tpu.memory_space<vmem>>
      %dma_wait3A_197 = arith.constant 0 : i32
      %dma_wait3A_198 = arith.constant 0 : i32
      %dma_wait3A_199 = tpu.memref_slice %arg3[%dma_wait3A_197, %dma_wait3A_198] : memref<1015808x64xf32, #tpu.memory_space<hbm>> -> memref<1015808x64xf32, #tpu.memory_space<hbm>>
      tpu.wait_indirect_dma semaphore(%arg10 : memref<!tpu.dma_semaphore, #tpu.memory_space<semaphore_mem>>) src(%dma_wait3A_199 : memref<1015808x64xf32, #tpu.memory_space<hbm>>) dst(%dma_wait3A_193 : memref<72x64xf32, #tpu.memory_space<vmem>>)
      %broadcast_in_dim3A_200 = arith.constant 0.000000e+00 : f32
      %broadcast_in_dim3A_201 = vector.broadcast %broadcast_in_dim3A_200 : f32 to vector<16xf32>
      %broadcast_in_dim3A_202 = arith.constant 0.000000e+00 : f32
      %broadcast_in_dim3A_203 = vector.broadcast %broadcast_in_dim3A_202 : f32 to vector<16xf32>
      %broadcast_in_dim3A_204 = arith.constant 0.000000e+00 : f32
      %broadcast_in_dim3A_205 = vector.broadcast %broadcast_in_dim3A_204 : f32 to vector<16xf32>
      %broadcast_in_dim3A_206 = arith.constant 0.000000e+00 : f32
      %broadcast_in_dim3A_207 = vector.broadcast %broadcast_in_dim3A_206 : f32 to vector<16xf32>
      %scan3A_208 = arith.constant 0 : i32
      %scan3A_209 = arith.constant 25 : i32
      %scan3A_210 = arith.addi %scan3A_208, %scan3A_209 : i32
      %scan3A_211 = arith.constant 1 : i32
      %scan3A_212:4 = scf.for %scan3A_399 = %scan3A_208 to %scan3A_210 step %scan3A_211 iter_args(%scan3A_400 = %broadcast_in_dim3A_201, %scan3A_401 = %broadcast_in_dim3A_203, %scan3A_402 = %broadcast_in_dim3A_205, %scan3A_403 = %broadcast_in_dim3A_207) -> (vector<16xf32>, vector<16xf32>, vector<16xf32>, vector<16xf32>)  : i32 {
        %mul3A_404 = arith.constant 8 : i32
        %mul3A_405 = arith.muli %scan3A_399, %mul3A_404 : i32
        %add3A_406 = arith.constant 0 : i32
        %add3A_407 = arith.addi %mul3A_405, %add3A_406 : i32
        %get3A = arith.constant 1 : i32
        %get3A_408 = arith.index_cast %get3A : i32 to index
        %get3A_409 = arith.index_cast %add3A_407 : i32 to index
        %get3A_410 = arith.constant 0 : index
        %get3A_411 = tpu.vector_load %arg7[%get3A_408, %get3A_409, %get3A_410] {strides = array<i32>} : memref<4x200x64xf32, #tpu.memory_space<vmem>>, vector<1x1x16xf32>,
        %get3A_412 = vector.shape_cast %get3A_411 : vector<1x1x16xf32> to vector<16xf32>
        %add3A_413 = arith.addf %scan3A_400, %get3A_412 : vector<16xf32>
        %get3A_414 = arith.constant 1 : i32
        %get3A_415 = arith.index_cast %get3A_414 : i32 to index
        %get3A_416 = arith.index_cast %add3A_407 : i32 to index
        %get3A_417 = arith.constant 16 : index
        %get3A_418 = tpu.vector_load %arg7[%get3A_415, %get3A_416, %get3A_417] {strides = array<i32>} : memref<4x200x64xf32, #tpu.memory_space<vmem>>, vector<1x1x16xf32>,
        %get3A_419 = vector.shape_cast %get3A_418 : vector<1x1x16xf32> to vector<16xf32>
        %add3A_420 = arith.addf %scan3A_401, %get3A_419 : vector<16xf32>
        %get3A_421 = arith.constant 1 : i32
        %get3A_422 = arith.index_cast %get3A_421 : i32 to index
        %get3A_423 = arith.index_cast %add3A_407 : i32 to index
        %get3A_424 = arith.constant 32 : index
        %get3A_425 = tpu.vector_load %arg7[%get3A_422, %get3A_423, %get3A_424] {strides = array<i32>} : memref<4x200x64xf32, #tpu.memory_space<vmem>>, vector<1x1x16xf32>,
        %get3A_426 = vector.shape_cast %get3A_425 : vector<1x1x16xf32> to vector<16xf32>
        %add3A_427 = arith.addf %scan3A_402, %get3A_426 : vector<16xf32>
        %get3A_428 = arith.constant 1 : i32
        %get3A_429 = arith.index_cast %get3A_428 : i32 to index
        %get3A_430 = arith.index_cast %add3A_407 : i32 to index
        %get3A_431 = arith.constant 48 : index
        %get3A_432 = tpu.vector_load %arg7[%get3A_429, %get3A_430, %get3A_431] {strides = array<i32>} : memref<4x200x64xf32, #tpu.memory_space<vmem>>, vector<1x1x16xf32>,
        %get3A_433 = vector.shape_cast %get3A_432 : vector<1x1x16xf32> to vector<16xf32>
        %add3A_434 = arith.addf %scan3A_403, %get3A_433 : vector<16xf32>
        %mul3A_435 = arith.constant 8 : i32
        %mul3A_436 = arith.muli %scan3A_399, %mul3A_435 : i32
        %add3A_437 = arith.constant 1 : i32
        %add3A_438 = arith.addi %mul3A_436, %add3A_437 : i32
        %get3A_439 = arith.constant 1 : i32
        %get3A_440 = arith.index_cast %get3A_439 : i32 to index
        %get3A_441 = arith.index_cast %add3A_438 : i32 to index
        %get3A_442 = arith.constant 0 : index
        %get3A_443 = tpu.vector_load %arg7[%get3A_440, %get3A_441, %get3A_442] {strides = array<i32>} : memref<4x200x64xf32, #tpu.memory_space<vmem>>, vector<1x1x16xf32>,
        %get3A_444 = vector.shape_cast %get3A_443 : vector<1x1x16xf32> to vector<16xf32>
        %add3A_445 = arith.addf %add3A_413, %get3A_444 : vector<16xf32>
        %get3A_446 = arith.constant 1 : i32
        %get3A_447 = arith.index_cast %get3A_446 : i32 to index
        %get3A_448 = arith.index_cast %add3A_438 : i32 to index
        %get3A_449 = arith.constant 16 : index
        %get3A_450 = tpu.vector_load %arg7[%get3A_447, %get3A_448, %get3A_449] {strides = array<i32>} : memref<4x200x64xf32, #tpu.memory_space<vmem>>, vector<1x1x16xf32>,
        %get3A_451 = vector.shape_cast %get3A_450 : vector<1x1x16xf32> to vector<16xf32>
        %add3A_452 = arith.addf %add3A_420, %get3A_451 : vector<16xf32>
        %get3A_453 = arith.constant 1 : i32
        %get3A_454 = arith.index_cast %get3A_453 : i32 to index
        %get3A_455 = arith.index_cast %add3A_438 : i32 to index
        %get3A_456 = arith.constant 32 : index
        %get3A_457 = tpu.vector_load %arg7[%get3A_454, %get3A_455, %get3A_456] {strides = array<i32>} : memref<4x200x64xf32, #tpu.memory_space<vmem>>, vector<1x1x16xf32>,
        %get3A_458 = vector.shape_cast %get3A_457 : vector<1x1x16xf32> to vector<16xf32>
        %add3A_459 = arith.addf %add3A_427, %get3A_458 : vector<16xf32>
        %get3A_460 = arith.constant 1 : i32
        %get3A_461 = arith.index_cast %get3A_460 : i32 to index
        %get3A_462 = arith.index_cast %add3A_438 : i32 to index
        %get3A_463 = arith.constant 48 : index
        %get3A_464 = tpu.vector_load %arg7[%get3A_461, %get3A_462, %get3A_463] {strides = array<i32>} : memref<4x200x64xf32, #tpu.memory_space<vmem>>, vector<1x1x16xf32>,
        %get3A_465 = vector.shape_cast %get3A_464 : vector<1x1x16xf32> to vector<16xf32>
        %add3A_466 = arith.addf %add3A_434, %get3A_465 : vector<16xf32>
        %mul3A_467 = arith.constant 8 : i32
        %mul3A_468 = arith.muli %scan3A_399, %mul3A_467 : i32
        %add3A_469 = arith.constant 2 : i32
        %add3A_470 = arith.addi %mul3A_468, %add3A_469 : i32
        %get3A_471 = arith.constant 1 : i32
        %get3A_472 = arith.index_cast %get3A_471 : i32 to index
        %get3A_473 = arith.index_cast %add3A_470 : i32 to index
        %get3A_474 = arith.constant 0 : index
        %get3A_475 = tpu.vector_load %arg7[%get3A_472, %get3A_473, %get3A_474] {strides = array<i32>} : memref<4x200x64xf32, #tpu.memory_space<vmem>>, vector<1x1x16xf32>,
        %get3A_476 = vector.shape_cast %get3A_475 : vector<1x1x16xf32> to vector<16xf32>
        %add3A_477 = arith.addf %add3A_445, %get3A_476 : vector<16xf32>
        %get3A_478 = arith.constant 1 : i32
        %get3A_479 = arith.index_cast %get3A_478 : i32 to index
        %get3A_480 = arith.index_cast %add3A_470 : i32 to index
        %get3A_481 = arith.constant 16 : index
        %get3A_482 = tpu.vector_load %arg7[%get3A_479, %get3A_480, %get3A_481] {strides = array<i32>} : memref<4x200x64xf32, #tpu.memory_space<vmem>>, vector<1x1x16xf32>,
        %get3A_483 = vector.shape_cast %get3A_482 : vector<1x1x16xf32> to vector<16xf32>
        %add3A_484 = arith.addf %add3A_452, %get3A_483 : vector<16xf32>
        %get3A_485 = arith.constant 1 : i32
        %get3A_486 = arith.index_cast %get3A_485 : i32 to index
        %get3A_487 = arith.index_cast %add3A_470 : i32 to index
        %get3A_488 = arith.constant 32 : index
        %get3A_489 = tpu.vector_load %arg7[%get3A_486, %get3A_487, %get3A_488] {strides = array<i32>} : memref<4x200x64xf32, #tpu.memory_space<vmem>>, vector<1x1x16xf32>,
        %get3A_490 = vector.shape_cast %get3A_489 : vector<1x1x16xf32> to vector<16xf32>
        %add3A_491 = arith.addf %add3A_459, %get3A_490 : vector<16xf32>
        %get3A_492 = arith.constant 1 : i32
        %get3A_493 = arith.index_cast %get3A_492 : i32 to index
        %get3A_494 = arith.index_cast %add3A_470 : i32 to index
        %get3A_495 = arith.constant 48 : index
        %get3A_496 = tpu.vector_load %arg7[%get3A_493, %get3A_494, %get3A_495] {strides = array<i32>} : memref<4x200x64xf32, #tpu.memory_space<vmem>>, vector<1x1x16xf32>,
        %get3A_497 = vector.shape_cast %get3A_496 : vector<1x1x16xf32> to vector<16xf32>
        %add3A_498 = arith.addf %add3A_466, %get3A_497 : vector<16xf32>
        %mul3A_499 = arith.constant 8 : i32
        %mul3A_500 = arith.muli %scan3A_399, %mul3A_499 : i32
        %add3A_501 = arith.constant 3 : i32
        %add3A_502 = arith.addi %mul3A_500, %add3A_501 : i32
        %get3A_503 = arith.constant 1 : i32
        %get3A_504 = arith.index_cast %get3A_503 : i32 to index
        %get3A_505 = arith.index_cast %add3A_502 : i32 to index
        %get3A_506 = arith.constant 0 : index
        %get3A_507 = tpu.vector_load %arg7[%get3A_504, %get3A_505, %get3A_506] {strides = array<i32>} : memref<4x200x64xf32, #tpu.memory_space<vmem>>, vector<1x1x16xf32>,
        %get3A_508 = vector.shape_cast %get3A_507 : vector<1x1x16xf32> to vector<16xf32>
        %add3A_509 = arith.addf %add3A_477, %get3A_508 : vector<16xf32>
        %get3A_510 = arith.constant 1 : i32
        %get3A_511 = arith.index_cast %get3A_510 : i32 to index
        %get3A_512 = arith.index_cast %add3A_502 : i32 to index
        %get3A_513 = arith.constant 16 : index
        %get3A_514 = tpu.vector_load %arg7[%get3A_511, %get3A_512, %get3A_513] {strides = array<i32>} : memref<4x200x64xf32, #tpu.memory_space<vmem>>, vector<1x1x16xf32>,
        %get3A_515 = vector.shape_cast %get3A_514 : vector<1x1x16xf32> to vector<16xf32>
        %add3A_516 = arith.addf %add3A_484, %get3A_515 : vector<16xf32>
        %get3A_517 = arith.constant 1 : i32
        %get3A_518 = arith.index_cast %get3A_517 : i32 to index
        %get3A_519 = arith.index_cast %add3A_502 : i32 to index
        %get3A_520 = arith.constant 32 : index
        %get3A_521 = tpu.vector_load %arg7[%get3A_518, %get3A_519, %get3A_520] {strides = array<i32>} : memref<4x200x64xf32, #tpu.memory_space<vmem>>, vector<1x1x16xf32>,
        %get3A_522 = vector.shape_cast %get3A_521 : vector<1x1x16xf32> to vector<16xf32>
        %add3A_523 = arith.addf %add3A_491, %get3A_522 : vector<16xf32>
        %get3A_524 = arith.constant 1 : i32
        %get3A_525 = arith.index_cast %get3A_524 : i32 to index
        %get3A_526 = arith.index_cast %add3A_502 : i32 to index
        %get3A_527 = arith.constant 48 : index
        %get3A_528 = tpu.vector_load %arg7[%get3A_525, %get3A_526, %get3A_527] {strides = array<i32>} : memref<4x200x64xf32, #tpu.memory_space<vmem>>, vector<1x1x16xf32>,
        %get3A_529 = vector.shape_cast %get3A_528 : vector<1x1x16xf32> to vector<16xf32>
        %add3A_530 = arith.addf %add3A_498, %get3A_529 : vector<16xf32>
        %mul3A_531 = arith.constant 8 : i32
        %mul3A_532 = arith.muli %scan3A_399, %mul3A_531 : i32
        %add3A_533 = arith.constant 4 : i32
        %add3A_534 = arith.addi %mul3A_532, %add3A_533 : i32
        %get3A_535 = arith.constant 1 : i32
        %get3A_536 = arith.index_cast %get3A_535 : i32 to index
        %get3A_537 = arith.index_cast %add3A_534 : i32 to index
        %get3A_538 = arith.constant 0 : index
        %get3A_539 = tpu.vector_load %arg7[%get3A_536, %get3A_537, %get3A_538] {strides = array<i32>} : memref<4x200x64xf32, #tpu.memory_space<vmem>>, vector<1x1x16xf32>,
        %get3A_540 = vector.shape_cast %get3A_539 : vector<1x1x16xf32> to vector<16xf32>
        %add3A_541 = arith.addf %add3A_509, %get3A_540 : vector<16xf32>
        %get3A_542 = arith.constant 1 : i32
        %get3A_543 = arith.index_cast %get3A_542 : i32 to index
        %get3A_544 = arith.index_cast %add3A_534 : i32 to index
        %get3A_545 = arith.constant 16 : index
        %get3A_546 = tpu.vector_load %arg7[%get3A_543, %get3A_544, %get3A_545] {strides = array<i32>} : memref<4x200x64xf32, #tpu.memory_space<vmem>>, vector<1x1x16xf32>,
        %get3A_547 = vector.shape_cast %get3A_546 : vector<1x1x16xf32> to vector<16xf32>
        %add3A_548 = arith.addf %add3A_516, %get3A_547 : vector<16xf32>
        %get3A_549 = arith.constant 1 : i32
        %get3A_550 = arith.index_cast %get3A_549 : i32 to index
        %get3A_551 = arith.index_cast %add3A_534 : i32 to index
        %get3A_552 = arith.constant 32 : index
        %get3A_553 = tpu.vector_load %arg7[%get3A_550, %get3A_551, %get3A_552] {strides = array<i32>} : memref<4x200x64xf32, #tpu.memory_space<vmem>>, vector<1x1x16xf32>,
        %get3A_554 = vector.shape_cast %get3A_553 : vector<1x1x16xf32> to vector<16xf32>
        %add3A_555 = arith.addf %add3A_523, %get3A_554 : vector<16xf32>
        %get3A_556 = arith.constant 1 : i32
        %get3A_557 = arith.index_cast %get3A_556 : i32 to index
        %get3A_558 = arith.index_cast %add3A_534 : i32 to index
        %get3A_559 = arith.constant 48 : index
        %get3A_560 = tpu.vector_load %arg7[%get3A_557, %get3A_558, %get3A_559] {strides = array<i32>} : memref<4x200x64xf32, #tpu.memory_space<vmem>>, vector<1x1x16xf32>,
        %get3A_561 = vector.shape_cast %get3A_560 : vector<1x1x16xf32> to vector<16xf32>
        %add3A_562 = arith.addf %add3A_530, %get3A_561 : vector<16xf32>
        %mul3A_563 = arith.constant 8 : i32
        %mul3A_564 = arith.muli %scan3A_399, %mul3A_563 : i32
        %add3A_565 = arith.constant 5 : i32
        %add3A_566 = arith.addi %mul3A_564, %add3A_565 : i32
        %get3A_567 = arith.constant 1 : i32
        %get3A_568 = arith.index_cast %get3A_567 : i32 to index
        %get3A_569 = arith.index_cast %add3A_566 : i32 to index
        %get3A_570 = arith.constant 0 : index
        %get3A_571 = tpu.vector_load %arg7[%get3A_568, %get3A_569, %get3A_570] {strides = array<i32>} : memref<4x200x64xf32, #tpu.memory_space<vmem>>, vector<1x1x16xf32>,
        %get3A_572 = vector.shape_cast %get3A_571 : vector<1x1x16xf32> to vector<16xf32>
        %add3A_573 = arith.addf %add3A_541, %get3A_572 : vector<16xf32>
        %get3A_574 = arith.constant 1 : i32
        %get3A_575 = arith.index_cast %get3A_574 : i32 to index
        %get3A_576 = arith.index_cast %add3A_566 : i32 to index
        %get3A_577 = arith.constant 16 : index
        %get3A_578 = tpu.vector_load %arg7[%get3A_575, %get3A_576, %get3A_577] {strides = array<i32>} : memref<4x200x64xf32, #tpu.memory_space<vmem>>, vector<1x1x16xf32>,
        %get3A_579 = vector.shape_cast %get3A_578 : vector<1x1x16xf32> to vector<16xf32>
        %add3A_580 = arith.addf %add3A_548, %get3A_579 : vector<16xf32>
        %get3A_581 = arith.constant 1 : i32
        %get3A_582 = arith.index_cast %get3A_581 : i32 to index
        %get3A_583 = arith.index_cast %add3A_566 : i32 to index
        %get3A_584 = arith.constant 32 : index
        %get3A_585 = tpu.vector_load %arg7[%get3A_582, %get3A_583, %get3A_584] {strides = array<i32>} : memref<4x200x64xf32, #tpu.memory_space<vmem>>, vector<1x1x16xf32>,
        %get3A_586 = vector.shape_cast %get3A_585 : vector<1x1x16xf32> to vector<16xf32>
        %add3A_587 = arith.addf %add3A_555, %get3A_586 : vector<16xf32>
        %get3A_588 = arith.constant 1 : i32
        %get3A_589 = arith.index_cast %get3A_588 : i32 to index
        %get3A_590 = arith.index_cast %add3A_566 : i32 to index
        %get3A_591 = arith.constant 48 : index
        %get3A_592 = tpu.vector_load %arg7[%get3A_589, %get3A_590, %get3A_591] {strides = array<i32>} : memref<4x200x64xf32, #tpu.memory_space<vmem>>, vector<1x1x16xf32>,
        %get3A_593 = vector.shape_cast %get3A_592 : vector<1x1x16xf32> to vector<16xf32>
        %add3A_594 = arith.addf %add3A_562, %get3A_593 : vector<16xf32>
        %mul3A_595 = arith.constant 8 : i32
        %mul3A_596 = arith.muli %scan3A_399, %mul3A_595 : i32
        %add3A_597 = arith.constant 6 : i32
        %add3A_598 = arith.addi %mul3A_596, %add3A_597 : i32
        %get3A_599 = arith.constant 1 : i32
        %get3A_600 = arith.index_cast %get3A_599 : i32 to index
        %get3A_601 = arith.index_cast %add3A_598 : i32 to index
        %get3A_602 = arith.constant 0 : index
        %get3A_603 = tpu.vector_load %arg7[%get3A_600, %get3A_601, %get3A_602] {strides = array<i32>} : memref<4x200x64xf32, #tpu.memory_space<vmem>>, vector<1x1x16xf32>,
        %get3A_604 = vector.shape_cast %get3A_603 : vector<1x1x16xf32> to vector<16xf32>
        %add3A_605 = arith.addf %add3A_573, %get3A_604 : vector<16xf32>
        %get3A_606 = arith.constant 1 : i32
        %get3A_607 = arith.index_cast %get3A_606 : i32 to index
        %get3A_608 = arith.index_cast %add3A_598 : i32 to index
        %get3A_609 = arith.constant 16 : index
        %get3A_610 = tpu.vector_load %arg7[%get3A_607, %get3A_608, %get3A_609] {strides = array<i32>} : memref<4x200x64xf32, #tpu.memory_space<vmem>>, vector<1x1x16xf32>,
        %get3A_611 = vector.shape_cast %get3A_610 : vector<1x1x16xf32> to vector<16xf32>
        %add3A_612 = arith.addf %add3A_580, %get3A_611 : vector<16xf32>
        %get3A_613 = arith.constant 1 : i32
        %get3A_614 = arith.index_cast %get3A_613 : i32 to index
        %get3A_615 = arith.index_cast %add3A_598 : i32 to index
        %get3A_616 = arith.constant 32 : index
        %get3A_617 = tpu.vector_load %arg7[%get3A_614, %get3A_615, %get3A_616] {strides = array<i32>} : memref<4x200x64xf32, #tpu.memory_space<vmem>>, vector<1x1x16xf32>,
        %get3A_618 = vector.shape_cast %get3A_617 : vector<1x1x16xf32> to vector<16xf32>
        %add3A_619 = arith.addf %add3A_587, %get3A_618 : vector<16xf32>
        %get3A_620 = arith.constant 1 : i32
        %get3A_621 = arith.index_cast %get3A_620 : i32 to index
        %get3A_622 = arith.index_cast %add3A_598 : i32 to index
        %get3A_623 = arith.constant 48 : index
        %get3A_624 = tpu.vector_load %arg7[%get3A_621, %get3A_622, %get3A_623] {strides = array<i32>} : memref<4x200x64xf32, #tpu.memory_space<vmem>>, vector<1x1x16xf32>,
        %get3A_625 = vector.shape_cast %get3A_624 : vector<1x1x16xf32> to vector<16xf32>
        %add3A_626 = arith.addf %add3A_594, %get3A_625 : vector<16xf32>
        %mul3A_627 = arith.constant 8 : i32
        %mul3A_628 = arith.muli %scan3A_399, %mul3A_627 : i32
        %add3A_629 = arith.constant 7 : i32
        %add3A_630 = arith.addi %mul3A_628, %add3A_629 : i32
        %get3A_631 = arith.constant 1 : i32
        %get3A_632 = arith.index_cast %get3A_631 : i32 to index
        %get3A_633 = arith.index_cast %add3A_630 : i32 to index
        %get3A_634 = arith.constant 0 : index
        %get3A_635 = tpu.vector_load %arg7[%get3A_632, %get3A_633, %get3A_634] {strides = array<i32>} : memref<4x200x64xf32, #tpu.memory_space<vmem>>, vector<1x1x16xf32>,
        %get3A_636 = vector.shape_cast %get3A_635 : vector<1x1x16xf32> to vector<16xf32>
        %add3A_637 = arith.addf %add3A_605, %get3A_636 : vector<16xf32>
        %get3A_638 = arith.constant 1 : i32
        %get3A_639 = arith.index_cast %get3A_638 : i32 to index
        %get3A_640 = arith.index_cast %add3A_630 : i32 to index
        %get3A_641 = arith.constant 16 : index
        %get3A_642 = tpu.vector_load %arg7[%get3A_639, %get3A_640, %get3A_641] {strides = array<i32>} : memref<4x200x64xf32, #tpu.memory_space<vmem>>, vector<1x1x16xf32>,
        %get3A_643 = vector.shape_cast %get3A_642 : vector<1x1x16xf32> to vector<16xf32>
        %add3A_644 = arith.addf %add3A_612, %get3A_643 : vector<16xf32>
        %get3A_645 = arith.constant 1 : i32
        %get3A_646 = arith.index_cast %get3A_645 : i32 to index
        %get3A_647 = arith.index_cast %add3A_630 : i32 to index
        %get3A_648 = arith.constant 32 : index
        %get3A_649 = tpu.vector_load %arg7[%get3A_646, %get3A_647, %get3A_648] {strides = array<i32>} : memref<4x200x64xf32, #tpu.memory_space<vmem>>, vector<1x1x16xf32>,
        %get3A_650 = vector.shape_cast %get3A_649 : vector<1x1x16xf32> to vector<16xf32>
        %add3A_651 = arith.addf %add3A_619, %get3A_650 : vector<16xf32>
        %get3A_652 = arith.constant 1 : i32
        %get3A_653 = arith.index_cast %get3A_652 : i32 to index
        %get3A_654 = arith.index_cast %add3A_630 : i32 to index
        %get3A_655 = arith.constant 48 : index
        %get3A_656 = tpu.vector_load %arg7[%get3A_653, %get3A_654, %get3A_655] {strides = array<i32>} : memref<4x200x64xf32, #tpu.memory_space<vmem>>, vector<1x1x16xf32>,
        %get3A_657 = vector.shape_cast %get3A_656 : vector<1x1x16xf32> to vector<16xf32>
        %add3A_658 = arith.addf %add3A_626, %get3A_657 : vector<16xf32>
        scf.yield %add3A_637, %add3A_644, %add3A_651, %add3A_658 : vector<16xf32>, vector<16xf32>, vector<16xf32>, vector<16xf32>
      }
      %scan3A_213 = arith.constant 25 : i32
      %add3A_214 = arith.constant 4 : i32
      %add3A_215 = arith.addi %add3A_177, %add3A_214 : i32
      %lt3A_216 = arith.constant 128 : i32
      %lt3A_217 = arith.cmpi slt, %add3A_215, %lt3A_216 : i32
      %convert_element_type3A_218 = arith.extui %lt3A_217 : i1 to i32
      %cond3A_219 = arith.constant 0 : i32
      %cond3A_220 = arith.cmpi ne, %convert_element_type3A_218, %cond3A_219 : i32
      scf.if %cond3A_220 {
        %dma_start3A_399 = arith.constant 1 : i32
        %dma_start3A_400 = arith.constant 0 : i32
        %dma_start3A_401 = arith.constant 0 : i32
        %dma_start3A_402 = tpu.memref_slice %arg7[%dma_start3A_399, %dma_start3A_400, %dma_start3A_401] : memref<4x200x64xf32, #tpu.memory_space<vmem>> -> memref<1x128x64xf32, #tpu.memory_space<vmem>>
        %dma_start3A_403 = tpu.memref_squeeze %dma_start3A_402 : memref<1x128x64xf32, #tpu.memory_space<vmem>> -> memref<128x64xf32, #tpu.memory_space<vmem>>
        %dma_start3A_404 = arith.constant 0 : i32
        %dma_start3A_405 = tpu.memref_slice %arg5[%add3A_215, %dma_start3A_404] : memref<128x128xi32, #tpu.memory_space<vmem>> -> memref<1x128xi32, #tpu.memory_space<vmem>>
        %dma_start3A_406 = tpu.memref_squeeze %dma_start3A_405 : memref<1x128xi32, #tpu.memory_space<vmem>> -> memref<128xi32, #tpu.memory_space<vmem>>
        %dma_start3A_407 = arith.constant 0 : i32
        %dma_start3A_408 = arith.constant 0 : i32
        %dma_start3A_409 = tpu.memref_slice %arg3[%dma_start3A_407, %dma_start3A_408] : memref<1015808x64xf32, #tpu.memory_space<hbm>> -> memref<1015808x64xf32, #tpu.memory_space<hbm>>
        tpu.enqueue_indirect_dma source(%dma_start3A_409 : memref<1015808x64xf32, #tpu.memory_space<hbm>>) target(%dma_start3A_403 : memref<128x64xf32, #tpu.memory_space<vmem>>) offsets(%dma_start3A_406 : memref<128xi32, #tpu.memory_space<vmem>>) semaphore(%arg10 : memref<!tpu.dma_semaphore, #tpu.memory_space<semaphore_mem>>)
        %dma_start3A_410 = arith.constant 1 : i32
        %dma_start3A_411 = arith.constant 128 : i32
        %dma_start3A_412 = arith.constant 0 : i32
        %dma_start3A_413 = tpu.memref_slice %arg7[%dma_start3A_410, %dma_start3A_411, %dma_start3A_412] : memref<4x200x64xf32, #tpu.memory_space<vmem>> -> memref<1x72x64xf32, #tpu.memory_space<vmem>>
        %dma_start3A_414 = tpu.memref_squeeze %dma_start3A_413 : memref<1x72x64xf32, #tpu.memory_space<vmem>> -> memref<72x64xf32, #tpu.memory_space<vmem>>
        %dma_start3A_415 = arith.constant 0 : i32
        %dma_start3A_416 = tpu.memref_slice %arg6[%add3A_215, %dma_start3A_415] : memref<128x72xi32, #tpu.memory_space<vmem>> -> memref<1x72xi32, #tpu.memory_space<vmem>>
        %dma_start3A_417 = tpu.memref_squeeze %dma_start3A_416 : memref<1x72xi32, #tpu.memory_space<vmem>> -> memref<72xi32, #tpu.memory_space<vmem>>
        %dma_start3A_418 = arith.constant 0 : i32
        %dma_start3A_419 = arith.constant 0 : i32
        %dma_start3A_420 = tpu.memref_slice %arg3[%dma_start3A_418, %dma_start3A_419] : memref<1015808x64xf32, #tpu.memory_space<hbm>> -> memref<1015808x64xf32, #tpu.memory_space<hbm>>
        tpu.enqueue_indirect_dma source(%dma_start3A_420 : memref<1015808x64xf32, #tpu.memory_space<hbm>>) target(%dma_start3A_414 : memref<72x64xf32, #tpu.memory_space<vmem>>) offsets(%dma_start3A_417 : memref<72xi32, #tpu.memory_space<vmem>>) semaphore(%arg10 : memref<!tpu.dma_semaphore, #tpu.memory_space<semaphore_mem>>)
      } else {
      }
      %mul3A_221 = vector.broadcast %scan3A_98 : f32 to vector<16xf32>
      %mul3A_222 = arith.mulf %scan3A_212#0, %mul3A_221 : vector<16xf32>
      %swap3A_223 = arith.index_cast %add3A_177 : i32 to index
      %swap3A_224 = arith.constant 0 : index
      %swap3A_225 = tpu.vector_load %arg8[%swap3A_223, %swap3A_224] {strides = array<i32>} : memref<128x64xf32, #tpu.memory_space<vmem>>, vector<1x16xf32>,
      %swap3A_226 = vector.shape_cast %swap3A_225 : vector<1x16xf32> to vector<16xf32>
      %swap3A_227 = vector.shape_cast %mul3A_222 : vector<16xf32> to vector<1x16xf32>
      tpu.vector_store %arg8[%swap3A_223, %swap3A_224], %swap3A_227 {strides = array<i32>} : memref<128x64xf32, #tpu.memory_space<vmem>>, vector<1x16xf32>,
      %mul3A_228 = vector.broadcast %scan3A_98 : f32 to vector<16xf32>
      %mul3A_229 = arith.mulf %scan3A_212#1, %mul3A_228 : vector<16xf32>
      %swap3A_230 = arith.index_cast %add3A_177 : i32 to index
      %swap3A_231 = arith.constant 16 : index
      %swap3A_232 = tpu.vector_load %arg8[%swap3A_230, %swap3A_231] {strides = array<i32>} : memref<128x64xf32, #tpu.memory_space<vmem>>, vector<1x16xf32>,
      %swap3A_233 = vector.shape_cast %swap3A_232 : vector<1x16xf32> to vector<16xf32>
      %swap3A_234 = vector.shape_cast %mul3A_229 : vector<16xf32> to vector<1x16xf32>
      tpu.vector_store %arg8[%swap3A_230, %swap3A_231], %swap3A_234 {strides = array<i32>} : memref<128x64xf32, #tpu.memory_space<vmem>>, vector<1x16xf32>,
      %mul3A_235 = vector.broadcast %scan3A_98 : f32 to vector<16xf32>
      %mul3A_236 = arith.mulf %scan3A_212#2, %mul3A_235 : vector<16xf32>
      %swap3A_237 = arith.index_cast %add3A_177 : i32 to index
      %swap3A_238 = arith.constant 32 : index
      %swap3A_239 = tpu.vector_load %arg8[%swap3A_237, %swap3A_238] {strides = array<i32>} : memref<128x64xf32, #tpu.memory_space<vmem>>, vector<1x16xf32>,
      %swap3A_240 = vector.shape_cast %swap3A_239 : vector<1x16xf32> to vector<16xf32>
      %swap3A_241 = vector.shape_cast %mul3A_236 : vector<16xf32> to vector<1x16xf32>
      tpu.vector_store %arg8[%swap3A_237, %swap3A_238], %swap3A_241 {strides = array<i32>} : memref<128x64xf32, #tpu.memory_space<vmem>>, vector<1x16xf32>,
      %mul3A_242 = vector.broadcast %scan3A_98 : f32 to vector<16xf32>
      %mul3A_243 = arith.mulf %scan3A_212#3, %mul3A_242 : vector<16xf32>
      %swap3A_244 = arith.index_cast %add3A_177 : i32 to index
      %swap3A_245 = arith.constant 48 : index
      %swap3A_246 = tpu.vector_load %arg8[%swap3A_244, %swap3A_245] {strides = array<i32>} : memref<128x64xf32, #tpu.memory_space<vmem>>, vector<1x16xf32>,
      %swap3A_247 = vector.shape_cast %swap3A_246 : vector<1x16xf32> to vector<16xf32>
      %swap3A_248 = vector.shape_cast %mul3A_243 : vector<16xf32> to vector<1x16xf32>
      tpu.vector_store %arg8[%swap3A_244, %swap3A_245], %swap3A_248 {strides = array<i32>} : memref<128x64xf32, #tpu.memory_space<vmem>>, vector<1x16xf32>,
      %mul3A_249 = arith.constant 4 : i32
      %mul3A_250 = arith.muli %scan3A_104, %mul3A_249 : i32
      %add3A_251 = arith.constant 2 : i32
      %add3A_252 = arith.addi %mul3A_250, %add3A_251 : i32
      %dma_wait3A_253 = arith.constant 2 : i32
      %dma_wait3A_254 = arith.constant 0 : i32
      %dma_wait3A_255 = arith.constant 0 : i32
      %dma_wait3A_256 = tpu.memref_slice %arg7[%dma_wait3A_253, %dma_wait3A_254, %dma_wait3A_255] : memref<4x200x64xf32, #tpu.memory_space<vmem>> -> memref<1x128x64xf32, #tpu.memory_space<vmem>>
      %dma_wait3A_257 = tpu.memref_squeeze %dma_wait3A_256 : memref<1x128x64xf32, #tpu.memory_space<vmem>> -> memref<128x64xf32, #tpu.memory_space<vmem>>
      %dma_wait3A_258 = arith.constant 0 : i32
      %dma_wait3A_259 = tpu.memref_slice %arg5[%add3A_252, %dma_wait3A_258] : memref<128x128xi32, #tpu.memory_space<vmem>> -> memref<1x128xi32, #tpu.memory_space<vmem>>
      %dma_wait3A_260 = tpu.memref_squeeze %dma_wait3A_259 : memref<1x128xi32, #tpu.memory_space<vmem>> -> memref<128xi32, #tpu.memory_space<vmem>>
      %dma_wait3A_261 = arith.constant 0 : i32
      %dma_wait3A_262 = arith.constant 0 : i32
      %dma_wait3A_263 = tpu.memref_slice %arg3[%dma_wait3A_261, %dma_wait3A_262] : memref<1015808x64xf32, #tpu.memory_space<hbm>> -> memref<1015808x64xf32, #tpu.memory_space<hbm>>
      tpu.wait_indirect_dma semaphore(%arg11 : memref<!tpu.dma_semaphore, #tpu.memory_space<semaphore_mem>>) src(%dma_wait3A_263 : memref<1015808x64xf32, #tpu.memory_space<hbm>>) dst(%dma_wait3A_257 : memref<128x64xf32, #tpu.memory_space<vmem>>)
      %dma_wait3A_264 = arith.constant 2 : i32
      %dma_wait3A_265 = arith.constant 128 : i32
      %dma_wait3A_266 = arith.constant 0 : i32
      %dma_wait3A_267 = tpu.memref_slice %arg7[%dma_wait3A_264, %dma_wait3A_265, %dma_wait3A_266] : memref<4x200x64xf32, #tpu.memory_space<vmem>> -> memref<1x72x64xf32, #tpu.memory_space<vmem>>
      %dma_wait3A_268 = tpu.memref_squeeze %dma_wait3A_267 : memref<1x72x64xf32, #tpu.memory_space<vmem>> -> memref<72x64xf32, #tpu.memory_space<vmem>>
      %dma_wait3A_269 = arith.constant 0 : i32
      %dma_wait3A_270 = tpu.memref_slice %arg6[%add3A_252, %dma_wait3A_269] : memref<128x72xi32, #tpu.memory_space<vmem>> -> memref<1x72xi32, #tpu.memory_space<vmem>>
      %dma_wait3A_271 = tpu.memref_squeeze %dma_wait3A_270 : memref<1x72xi32, #tpu.memory_space<vmem>> -> memref<72xi32, #tpu.memory_space<vmem>>
      %dma_wait3A_272 = arith.constant 0 : i32
      %dma_wait3A_273 = arith.constant 0 : i32
      %dma_wait3A_274 = tpu.memref_slice %arg3[%dma_wait3A_272, %dma_wait3A_273] : memref<1015808x64xf32, #tpu.memory_space<hbm>> -> memref<1015808x64xf32, #tpu.memory_space<hbm>>
      tpu.wait_indirect_dma semaphore(%arg11 : memref<!tpu.dma_semaphore, #tpu.memory_space<semaphore_mem>>) src(%dma_wait3A_274 : memref<1015808x64xf32, #tpu.memory_space<hbm>>) dst(%dma_wait3A_268 : memref<72x64xf32, #tpu.memory_space<vmem>>)
      %broadcast_in_dim3A_275 = arith.constant 0.000000e+00 : f32
      %broadcast_in_dim3A_276 = vector.broadcast %broadcast_in_dim3A_275 : f32 to vector<16xf32>
      %broadcast_in_dim3A_277 = arith.constant 0.000000e+00 : f32
      %broadcast_in_dim3A_278 = vector.broadcast %broadcast_in_dim3A_277 : f32 to vector<16xf32>
      %broadcast_in_dim3A_279 = arith.constant 0.000000e+00 : f32
      %broadcast_in_dim3A_280 = vector.broadcast %broadcast_in_dim3A_279 : f32 to vector<16xf32>
      %broadcast_in_dim3A_281 = arith.constant 0.000000e+00 : f32
      %broadcast_in_dim3A_282 = vector.broadcast %broadcast_in_dim3A_281 : f32 to vector<16xf32>
      %scan3A_283 = arith.constant 0 : i32
      %scan3A_284 = arith.constant 25 : i32
      %scan3A_285 = arith.addi %scan3A_283, %scan3A_284 : i32
      %scan3A_286 = arith.constant 1 : i32
      %scan3A_287:4 = scf.for %scan3A_399 = %scan3A_283 to %scan3A_285 step %scan3A_286 iter_args(%scan3A_400 = %broadcast_in_dim3A_276, %scan3A_401 = %broadcast_in_dim3A_278, %scan3A_402 = %broadcast_in_dim3A_280, %scan3A_403 = %broadcast_in_dim3A_282) -> (vector<16xf32>, vector<16xf32>, vector<16xf32>, vector<16xf32>)  : i32 {
        %mul3A_404 = arith.constant 8 : i32
        %mul3A_405 = arith.muli %scan3A_399, %mul3A_404 : i32
        %add3A_406 = arith.constant 0 : i32
        %add3A_407 = arith.addi %mul3A_405, %add3A_406 : i32
        %get3A = arith.constant 2 : i32
        %get3A_408 = arith.index_cast %get3A : i32 to index
        %get3A_409 = arith.index_cast %add3A_407 : i32 to index
        %get3A_410 = arith.constant 0 : index
        %get3A_411 = tpu.vector_load %arg7[%get3A_408, %get3A_409, %get3A_410] {strides = array<i32>} : memref<4x200x64xf32, #tpu.memory_space<vmem>>, vector<1x1x16xf32>,
        %get3A_412 = vector.shape_cast %get3A_411 : vector<1x1x16xf32> to vector<16xf32>
        %add3A_413 = arith.addf %scan3A_400, %get3A_412 : vector<16xf32>
        %get3A_414 = arith.constant 2 : i32
        %get3A_415 = arith.index_cast %get3A_414 : i32 to index
        %get3A_416 = arith.index_cast %add3A_407 : i32 to index
        %get3A_417 = arith.constant 16 : index
        %get3A_418 = tpu.vector_load %arg7[%get3A_415, %get3A_416, %get3A_417] {strides = array<i32>} : memref<4x200x64xf32, #tpu.memory_space<vmem>>, vector<1x1x16xf32>,
        %get3A_419 = vector.shape_cast %get3A_418 : vector<1x1x16xf32> to vector<16xf32>
        %add3A_420 = arith.addf %scan3A_401, %get3A_419 : vector<16xf32>
        %get3A_421 = arith.constant 2 : i32
        %get3A_422 = arith.index_cast %get3A_421 : i32 to index
        %get3A_423 = arith.index_cast %add3A_407 : i32 to index
        %get3A_424 = arith.constant 32 : index
        %get3A_425 = tpu.vector_load %arg7[%get3A_422, %get3A_423, %get3A_424] {strides = array<i32>} : memref<4x200x64xf32, #tpu.memory_space<vmem>>, vector<1x1x16xf32>,
        %get3A_426 = vector.shape_cast %get3A_425 : vector<1x1x16xf32> to vector<16xf32>
        %add3A_427 = arith.addf %scan3A_402, %get3A_426 : vector<16xf32>
        %get3A_428 = arith.constant 2 : i32
        %get3A_429 = arith.index_cast %get3A_428 : i32 to index
        %get3A_430 = arith.index_cast %add3A_407 : i32 to index
        %get3A_431 = arith.constant 48 : index
        %get3A_432 = tpu.vector_load %arg7[%get3A_429, %get3A_430, %get3A_431] {strides = array<i32>} : memref<4x200x64xf32, #tpu.memory_space<vmem>>, vector<1x1x16xf32>,
        %get3A_433 = vector.shape_cast %get3A_432 : vector<1x1x16xf32> to vector<16xf32>
        %add3A_434 = arith.addf %scan3A_403, %get3A_433 : vector<16xf32>
        %mul3A_435 = arith.constant 8 : i32
        %mul3A_436 = arith.muli %scan3A_399, %mul3A_435 : i32
        %add3A_437 = arith.constant 1 : i32
        %add3A_438 = arith.addi %mul3A_436, %add3A_437 : i32
        %get3A_439 = arith.constant 2 : i32
        %get3A_440 = arith.index_cast %get3A_439 : i32 to index
        %get3A_441 = arith.index_cast %add3A_438 : i32 to index
        %get3A_442 = arith.constant 0 : index
        %get3A_443 = tpu.vector_load %arg7[%get3A_440, %get3A_441, %get3A_442] {strides = array<i32>} : memref<4x200x64xf32, #tpu.memory_space<vmem>>, vector<1x1x16xf32>,
        %get3A_444 = vector.shape_cast %get3A_443 : vector<1x1x16xf32> to vector<16xf32>
        %add3A_445 = arith.addf %add3A_413, %get3A_444 : vector<16xf32>
        %get3A_446 = arith.constant 2 : i32
        %get3A_447 = arith.index_cast %get3A_446 : i32 to index
        %get3A_448 = arith.index_cast %add3A_438 : i32 to index
        %get3A_449 = arith.constant 16 : index
        %get3A_450 = tpu.vector_load %arg7[%get3A_447, %get3A_448, %get3A_449] {strides = array<i32>} : memref<4x200x64xf32, #tpu.memory_space<vmem>>, vector<1x1x16xf32>,
        %get3A_451 = vector.shape_cast %get3A_450 : vector<1x1x16xf32> to vector<16xf32>
        %add3A_452 = arith.addf %add3A_420, %get3A_451 : vector<16xf32>
        %get3A_453 = arith.constant 2 : i32
        %get3A_454 = arith.index_cast %get3A_453 : i32 to index
        %get3A_455 = arith.index_cast %add3A_438 : i32 to index
        %get3A_456 = arith.constant 32 : index
        %get3A_457 = tpu.vector_load %arg7[%get3A_454, %get3A_455, %get3A_456] {strides = array<i32>} : memref<4x200x64xf32, #tpu.memory_space<vmem>>, vector<1x1x16xf32>,
        %get3A_458 = vector.shape_cast %get3A_457 : vector<1x1x16xf32> to vector<16xf32>
        %add3A_459 = arith.addf %add3A_427, %get3A_458 : vector<16xf32>
        %get3A_460 = arith.constant 2 : i32
        %get3A_461 = arith.index_cast %get3A_460 : i32 to index
        %get3A_462 = arith.index_cast %add3A_438 : i32 to index
        %get3A_463 = arith.constant 48 : index
        %get3A_464 = tpu.vector_load %arg7[%get3A_461, %get3A_462, %get3A_463] {strides = array<i32>} : memref<4x200x64xf32, #tpu.memory_space<vmem>>, vector<1x1x16xf32>,
        %get3A_465 = vector.shape_cast %get3A_464 : vector<1x1x16xf32> to vector<16xf32>
        %add3A_466 = arith.addf %add3A_434, %get3A_465 : vector<16xf32>
        %mul3A_467 = arith.constant 8 : i32
        %mul3A_468 = arith.muli %scan3A_399, %mul3A_467 : i32
        %add3A_469 = arith.constant 2 : i32
        %add3A_470 = arith.addi %mul3A_468, %add3A_469 : i32
        %get3A_471 = arith.constant 2 : i32
        %get3A_472 = arith.index_cast %get3A_471 : i32 to index
        %get3A_473 = arith.index_cast %add3A_470 : i32 to index
        %get3A_474 = arith.constant 0 : index
        %get3A_475 = tpu.vector_load %arg7[%get3A_472, %get3A_473, %get3A_474] {strides = array<i32>} : memref<4x200x64xf32, #tpu.memory_space<vmem>>, vector<1x1x16xf32>,
        %get3A_476 = vector.shape_cast %get3A_475 : vector<1x1x16xf32> to vector<16xf32>
        %add3A_477 = arith.addf %add3A_445, %get3A_476 : vector<16xf32>
        %get3A_478 = arith.constant 2 : i32
        %get3A_479 = arith.index_cast %get3A_478 : i32 to index
        %get3A_480 = arith.index_cast %add3A_470 : i32 to index
        %get3A_481 = arith.constant 16 : index
        %get3A_482 = tpu.vector_load %arg7[%get3A_479, %get3A_480, %get3A_481] {strides = array<i32>} : memref<4x200x64xf32, #tpu.memory_space<vmem>>, vector<1x1x16xf32>,
        %get3A_483 = vector.shape_cast %get3A_482 : vector<1x1x16xf32> to vector<16xf32>
        %add3A_484 = arith.addf %add3A_452, %get3A_483 : vector<16xf32>
        %get3A_485 = arith.constant 2 : i32
        %get3A_486 = arith.index_cast %get3A_485 : i32 to index
        %get3A_487 = arith.index_cast %add3A_470 : i32 to index
        %get3A_488 = arith.constant 32 : index
        %get3A_489 = tpu.vector_load %arg7[%get3A_486, %get3A_487, %get3A_488] {strides = array<i32>} : memref<4x200x64xf32, #tpu.memory_space<vmem>>, vector<1x1x16xf32>,
        %get3A_490 = vector.shape_cast %get3A_489 : vector<1x1x16xf32> to vector<16xf32>
        %add3A_491 = arith.addf %add3A_459, %get3A_490 : vector<16xf32>
        %get3A_492 = arith.constant 2 : i32
        %get3A_493 = arith.index_cast %get3A_492 : i32 to index
        %get3A_494 = arith.index_cast %add3A_470 : i32 to index
        %get3A_495 = arith.constant 48 : index
        %get3A_496 = tpu.vector_load %arg7[%get3A_493, %get3A_494, %get3A_495] {strides = array<i32>} : memref<4x200x64xf32, #tpu.memory_space<vmem>>, vector<1x1x16xf32>,
        %get3A_497 = vector.shape_cast %get3A_496 : vector<1x1x16xf32> to vector<16xf32>
        %add3A_498 = arith.addf %add3A_466, %get3A_497 : vector<16xf32>
        %mul3A_499 = arith.constant 8 : i32
        %mul3A_500 = arith.muli %scan3A_399, %mul3A_499 : i32
        %add3A_501 = arith.constant 3 : i32
        %add3A_502 = arith.addi %mul3A_500, %add3A_501 : i32
        %get3A_503 = arith.constant 2 : i32
        %get3A_504 = arith.index_cast %get3A_503 : i32 to index
        %get3A_505 = arith.index_cast %add3A_502 : i32 to index
        %get3A_506 = arith.constant 0 : index
        %get3A_507 = tpu.vector_load %arg7[%get3A_504, %get3A_505, %get3A_506] {strides = array<i32>} : memref<4x200x64xf32, #tpu.memory_space<vmem>>, vector<1x1x16xf32>,
        %get3A_508 = vector.shape_cast %get3A_507 : vector<1x1x16xf32> to vector<16xf32>
        %add3A_509 = arith.addf %add3A_477, %get3A_508 : vector<16xf32>
        %get3A_510 = arith.constant 2 : i32
        %get3A_511 = arith.index_cast %get3A_510 : i32 to index
        %get3A_512 = arith.index_cast %add3A_502 : i32 to index
        %get3A_513 = arith.constant 16 : index
        %get3A_514 = tpu.vector_load %arg7[%get3A_511, %get3A_512, %get3A_513] {strides = array<i32>} : memref<4x200x64xf32, #tpu.memory_space<vmem>>, vector<1x1x16xf32>,
        %get3A_515 = vector.shape_cast %get3A_514 : vector<1x1x16xf32> to vector<16xf32>
        %add3A_516 = arith.addf %add3A_484, %get3A_515 : vector<16xf32>
        %get3A_517 = arith.constant 2 : i32
        %get3A_518 = arith.index_cast %get3A_517 : i32 to index
        %get3A_519 = arith.index_cast %add3A_502 : i32 to index
        %get3A_520 = arith.constant 32 : index
        %get3A_521 = tpu.vector_load %arg7[%get3A_518, %get3A_519, %get3A_520] {strides = array<i32>} : memref<4x200x64xf32, #tpu.memory_space<vmem>>, vector<1x1x16xf32>,
        %get3A_522 = vector.shape_cast %get3A_521 : vector<1x1x16xf32> to vector<16xf32>
        %add3A_523 = arith.addf %add3A_491, %get3A_522 : vector<16xf32>
        %get3A_524 = arith.constant 2 : i32
        %get3A_525 = arith.index_cast %get3A_524 : i32 to index
        %get3A_526 = arith.index_cast %add3A_502 : i32 to index
        %get3A_527 = arith.constant 48 : index
        %get3A_528 = tpu.vector_load %arg7[%get3A_525, %get3A_526, %get3A_527] {strides = array<i32>} : memref<4x200x64xf32, #tpu.memory_space<vmem>>, vector<1x1x16xf32>,
        %get3A_529 = vector.shape_cast %get3A_528 : vector<1x1x16xf32> to vector<16xf32>
        %add3A_530 = arith.addf %add3A_498, %get3A_529 : vector<16xf32>
        %mul3A_531 = arith.constant 8 : i32
        %mul3A_532 = arith.muli %scan3A_399, %mul3A_531 : i32
        %add3A_533 = arith.constant 4 : i32
        %add3A_534 = arith.addi %mul3A_532, %add3A_533 : i32
        %get3A_535 = arith.constant 2 : i32
        %get3A_536 = arith.index_cast %get3A_535 : i32 to index
        %get3A_537 = arith.index_cast %add3A_534 : i32 to index
        %get3A_538 = arith.constant 0 : index
        %get3A_539 = tpu.vector_load %arg7[%get3A_536, %get3A_537, %get3A_538] {strides = array<i32>} : memref<4x200x64xf32, #tpu.memory_space<vmem>>, vector<1x1x16xf32>,
        %get3A_540 = vector.shape_cast %get3A_539 : vector<1x1x16xf32> to vector<16xf32>
        %add3A_541 = arith.addf %add3A_509, %get3A_540 : vector<16xf32>
        %get3A_542 = arith.constant 2 : i32
        %get3A_543 = arith.index_cast %get3A_542 : i32 to index
        %get3A_544 = arith.index_cast %add3A_534 : i32 to index
        %get3A_545 = arith.constant 16 : index
        %get3A_546 = tpu.vector_load %arg7[%get3A_543, %get3A_544, %get3A_545] {strides = array<i32>} : memref<4x200x64xf32, #tpu.memory_space<vmem>>, vector<1x1x16xf32>,
        %get3A_547 = vector.shape_cast %get3A_546 : vector<1x1x16xf32> to vector<16xf32>
        %add3A_548 = arith.addf %add3A_516, %get3A_547 : vector<16xf32>
        %get3A_549 = arith.constant 2 : i32
        %get3A_550 = arith.index_cast %get3A_549 : i32 to index
        %get3A_551 = arith.index_cast %add3A_534 : i32 to index
        %get3A_552 = arith.constant 32 : index
        %get3A_553 = tpu.vector_load %arg7[%get3A_550, %get3A_551, %get3A_552] {strides = array<i32>} : memref<4x200x64xf32, #tpu.memory_space<vmem>>, vector<1x1x16xf32>,
        %get3A_554 = vector.shape_cast %get3A_553 : vector<1x1x16xf32> to vector<16xf32>
        %add3A_555 = arith.addf %add3A_523, %get3A_554 : vector<16xf32>
        %get3A_556 = arith.constant 2 : i32
        %get3A_557 = arith.index_cast %get3A_556 : i32 to index
        %get3A_558 = arith.index_cast %add3A_534 : i32 to index
        %get3A_559 = arith.constant 48 : index
        %get3A_560 = tpu.vector_load %arg7[%get3A_557, %get3A_558, %get3A_559] {strides = array<i32>} : memref<4x200x64xf32, #tpu.memory_space<vmem>>, vector<1x1x16xf32>,
        %get3A_561 = vector.shape_cast %get3A_560 : vector<1x1x16xf32> to vector<16xf32>
        %add3A_562 = arith.addf %add3A_530, %get3A_561 : vector<16xf32>
        %mul3A_563 = arith.constant 8 : i32
        %mul3A_564 = arith.muli %scan3A_399, %mul3A_563 : i32
        %add3A_565 = arith.constant 5 : i32
        %add3A_566 = arith.addi %mul3A_564, %add3A_565 : i32
        %get3A_567 = arith.constant 2 : i32
        %get3A_568 = arith.index_cast %get3A_567 : i32 to index
        %get3A_569 = arith.index_cast %add3A_566 : i32 to index
        %get3A_570 = arith.constant 0 : index
        %get3A_571 = tpu.vector_load %arg7[%get3A_568, %get3A_569, %get3A_570] {strides = array<i32>} : memref<4x200x64xf32, #tpu.memory_space<vmem>>, vector<1x1x16xf32>,
        %get3A_572 = vector.shape_cast %get3A_571 : vector<1x1x16xf32> to vector<16xf32>
        %add3A_573 = arith.addf %add3A_541, %get3A_572 : vector<16xf32>
        %get3A_574 = arith.constant 2 : i32
        %get3A_575 = arith.index_cast %get3A_574 : i32 to index
        %get3A_576 = arith.index_cast %add3A_566 : i32 to index
        %get3A_577 = arith.constant 16 : index
        %get3A_578 = tpu.vector_load %arg7[%get3A_575, %get3A_576, %get3A_577] {strides = array<i32>} : memref<4x200x64xf32, #tpu.memory_space<vmem>>, vector<1x1x16xf32>,
        %get3A_579 = vector.shape_cast %get3A_578 : vector<1x1x16xf32> to vector<16xf32>
        %add3A_580 = arith.addf %add3A_548, %get3A_579 : vector<16xf32>
        %get3A_581 = arith.constant 2 : i32
        %get3A_582 = arith.index_cast %get3A_581 : i32 to index
        %get3A_583 = arith.index_cast %add3A_566 : i32 to index
        %get3A_584 = arith.constant 32 : index
        %get3A_585 = tpu.vector_load %arg7[%get3A_582, %get3A_583, %get3A_584] {strides = array<i32>} : memref<4x200x64xf32, #tpu.memory_space<vmem>>, vector<1x1x16xf32>,
        %get3A_586 = vector.shape_cast %get3A_585 : vector<1x1x16xf32> to vector<16xf32>
        %add3A_587 = arith.addf %add3A_555, %get3A_586 : vector<16xf32>
        %get3A_588 = arith.constant 2 : i32
        %get3A_589 = arith.index_cast %get3A_588 : i32 to index
        %get3A_590 = arith.index_cast %add3A_566 : i32 to index
        %get3A_591 = arith.constant 48 : index
        %get3A_592 = tpu.vector_load %arg7[%get3A_589, %get3A_590, %get3A_591] {strides = array<i32>} : memref<4x200x64xf32, #tpu.memory_space<vmem>>, vector<1x1x16xf32>,
        %get3A_593 = vector.shape_cast %get3A_592 : vector<1x1x16xf32> to vector<16xf32>
        %add3A_594 = arith.addf %add3A_562, %get3A_593 : vector<16xf32>
        %mul3A_595 = arith.constant 8 : i32
        %mul3A_596 = arith.muli %scan3A_399, %mul3A_595 : i32
        %add3A_597 = arith.constant 6 : i32
        %add3A_598 = arith.addi %mul3A_596, %add3A_597 : i32
        %get3A_599 = arith.constant 2 : i32
        %get3A_600 = arith.index_cast %get3A_599 : i32 to index
        %get3A_601 = arith.index_cast %add3A_598 : i32 to index
        %get3A_602 = arith.constant 0 : index
        %get3A_603 = tpu.vector_load %arg7[%get3A_600, %get3A_601, %get3A_602] {strides = array<i32>} : memref<4x200x64xf32, #tpu.memory_space<vmem>>, vector<1x1x16xf32>,
        %get3A_604 = vector.shape_cast %get3A_603 : vector<1x1x16xf32> to vector<16xf32>
        %add3A_605 = arith.addf %add3A_573, %get3A_604 : vector<16xf32>
        %get3A_606 = arith.constant 2 : i32
        %get3A_607 = arith.index_cast %get3A_606 : i32 to index
        %get3A_608 = arith.index_cast %add3A_598 : i32 to index
        %get3A_609 = arith.constant 16 : index
        %get3A_610 = tpu.vector_load %arg7[%get3A_607, %get3A_608, %get3A_609] {strides = array<i32>} : memref<4x200x64xf32, #tpu.memory_space<vmem>>, vector<1x1x16xf32>,
        %get3A_611 = vector.shape_cast %get3A_610 : vector<1x1x16xf32> to vector<16xf32>
        %add3A_612 = arith.addf %add3A_580, %get3A_611 : vector<16xf32>
        %get3A_613 = arith.constant 2 : i32
        %get3A_614 = arith.index_cast %get3A_613 : i32 to index
        %get3A_615 = arith.index_cast %add3A_598 : i32 to index
        %get3A_616 = arith.constant 32 : index
        %get3A_617 = tpu.vector_load %arg7[%get3A_614, %get3A_615, %get3A_616] {strides = array<i32>} : memref<4x200x64xf32, #tpu.memory_space<vmem>>, vector<1x1x16xf32>,
        %get3A_618 = vector.shape_cast %get3A_617 : vector<1x1x16xf32> to vector<16xf32>
        %add3A_619 = arith.addf %add3A_587, %get3A_618 : vector<16xf32>
        %get3A_620 = arith.constant 2 : i32
        %get3A_621 = arith.index_cast %get3A_620 : i32 to index
        %get3A_622 = arith.index_cast %add3A_598 : i32 to index
        %get3A_623 = arith.constant 48 : index
        %get3A_624 = tpu.vector_load %arg7[%get3A_621, %get3A_622, %get3A_623] {strides = array<i32>} : memref<4x200x64xf32, #tpu.memory_space<vmem>>, vector<1x1x16xf32>,
        %get3A_625 = vector.shape_cast %get3A_624 : vector<1x1x16xf32> to vector<16xf32>
        %add3A_626 = arith.addf %add3A_594, %get3A_625 : vector<16xf32>
        %mul3A_627 = arith.constant 8 : i32
        %mul3A_628 = arith.muli %scan3A_399, %mul3A_627 : i32
        %add3A_629 = arith.constant 7 : i32
        %add3A_630 = arith.addi %mul3A_628, %add3A_629 : i32
        %get3A_631 = arith.constant 2 : i32
        %get3A_632 = arith.index_cast %get3A_631 : i32 to index
        %get3A_633 = arith.index_cast %add3A_630 : i32 to index
        %get3A_634 = arith.constant 0 : index
        %get3A_635 = tpu.vector_load %arg7[%get3A_632, %get3A_633, %get3A_634] {strides = array<i32>} : memref<4x200x64xf32, #tpu.memory_space<vmem>>, vector<1x1x16xf32>,
        %get3A_636 = vector.shape_cast %get3A_635 : vector<1x1x16xf32> to vector<16xf32>
        %add3A_637 = arith.addf %add3A_605, %get3A_636 : vector<16xf32>
        %get3A_638 = arith.constant 2 : i32
        %get3A_639 = arith.index_cast %get3A_638 : i32 to index
        %get3A_640 = arith.index_cast %add3A_630 : i32 to index
        %get3A_641 = arith.constant 16 : index
        %get3A_642 = tpu.vector_load %arg7[%get3A_639, %get3A_640, %get3A_641] {strides = array<i32>} : memref<4x200x64xf32, #tpu.memory_space<vmem>>, vector<1x1x16xf32>,
        %get3A_643 = vector.shape_cast %get3A_642 : vector<1x1x16xf32> to vector<16xf32>
        %add3A_644 = arith.addf %add3A_612, %get3A_643 : vector<16xf32>
        %get3A_645 = arith.constant 2 : i32
        %get3A_646 = arith.index_cast %get3A_645 : i32 to index
        %get3A_647 = arith.index_cast %add3A_630 : i32 to index
        %get3A_648 = arith.constant 32 : index
        %get3A_649 = tpu.vector_load %arg7[%get3A_646, %get3A_647, %get3A_648] {strides = array<i32>} : memref<4x200x64xf32, #tpu.memory_space<vmem>>, vector<1x1x16xf32>,
        %get3A_650 = vector.shape_cast %get3A_649 : vector<1x1x16xf32> to vector<16xf32>
        %add3A_651 = arith.addf %add3A_619, %get3A_650 : vector<16xf32>
        %get3A_652 = arith.constant 2 : i32
        %get3A_653 = arith.index_cast %get3A_652 : i32 to index
        %get3A_654 = arith.index_cast %add3A_630 : i32 to index
        %get3A_655 = arith.constant 48 : index
        %get3A_656 = tpu.vector_load %arg7[%get3A_653, %get3A_654, %get3A_655] {strides = array<i32>} : memref<4x200x64xf32, #tpu.memory_space<vmem>>, vector<1x1x16xf32>,
        %get3A_657 = vector.shape_cast %get3A_656 : vector<1x1x16xf32> to vector<16xf32>
        %add3A_658 = arith.addf %add3A_626, %get3A_657 : vector<16xf32>
        scf.yield %add3A_637, %add3A_644, %add3A_651, %add3A_658 : vector<16xf32>, vector<16xf32>, vector<16xf32>, vector<16xf32>
      }
      %scan3A_288 = arith.constant 25 : i32
      %add3A_289 = arith.constant 4 : i32
      %add3A_290 = arith.addi %add3A_252, %add3A_289 : i32
      %lt3A_291 = arith.constant 128 : i32
      %lt3A_292 = arith.cmpi slt, %add3A_290, %lt3A_291 : i32
      %convert_element_type3A_293 = arith.extui %lt3A_292 : i1 to i32
      %cond3A_294 = arith.constant 0 : i32
      %cond3A_295 = arith.cmpi ne, %convert_element_type3A_293, %cond3A_294 : i32
      scf.if %cond3A_295 {
        %dma_start3A_399 = arith.constant 2 : i32
        %dma_start3A_400 = arith.constant 0 : i32
        %dma_start3A_401 = arith.constant 0 : i32
        %dma_start3A_402 = tpu.memref_slice %arg7[%dma_start3A_399, %dma_start3A_400, %dma_start3A_401] : memref<4x200x64xf32, #tpu.memory_space<vmem>> -> memref<1x128x64xf32, #tpu.memory_space<vmem>>
        %dma_start3A_403 = tpu.memref_squeeze %dma_start3A_402 : memref<1x128x64xf32, #tpu.memory_space<vmem>> -> memref<128x64xf32, #tpu.memory_space<vmem>>
        %dma_start3A_404 = arith.constant 0 : i32
        %dma_start3A_405 = tpu.memref_slice %arg5[%add3A_290, %dma_start3A_404] : memref<128x128xi32, #tpu.memory_space<vmem>> -> memref<1x128xi32, #tpu.memory_space<vmem>>
        %dma_start3A_406 = tpu.memref_squeeze %dma_start3A_405 : memref<1x128xi32, #tpu.memory_space<vmem>> -> memref<128xi32, #tpu.memory_space<vmem>>
        %dma_start3A_407 = arith.constant 0 : i32
        %dma_start3A_408 = arith.constant 0 : i32
        %dma_start3A_409 = tpu.memref_slice %arg3[%dma_start3A_407, %dma_start3A_408] : memref<1015808x64xf32, #tpu.memory_space<hbm>> -> memref<1015808x64xf32, #tpu.memory_space<hbm>>
        tpu.enqueue_indirect_dma source(%dma_start3A_409 : memref<1015808x64xf32, #tpu.memory_space<hbm>>) target(%dma_start3A_403 : memref<128x64xf32, #tpu.memory_space<vmem>>) offsets(%dma_start3A_406 : memref<128xi32, #tpu.memory_space<vmem>>) semaphore(%arg11 : memref<!tpu.dma_semaphore, #tpu.memory_space<semaphore_mem>>)
        %dma_start3A_410 = arith.constant 2 : i32
        %dma_start3A_411 = arith.constant 128 : i32
        %dma_start3A_412 = arith.constant 0 : i32
        %dma_start3A_413 = tpu.memref_slice %arg7[%dma_start3A_410, %dma_start3A_411, %dma_start3A_412] : memref<4x200x64xf32, #tpu.memory_space<vmem>> -> memref<1x72x64xf32, #tpu.memory_space<vmem>>
        %dma_start3A_414 = tpu.memref_squeeze %dma_start3A_413 : memref<1x72x64xf32, #tpu.memory_space<vmem>> -> memref<72x64xf32, #tpu.memory_space<vmem>>
        %dma_start3A_415 = arith.constant 0 : i32
        %dma_start3A_416 = tpu.memref_slice %arg6[%add3A_290, %dma_start3A_415] : memref<128x72xi32, #tpu.memory_space<vmem>> -> memref<1x72xi32, #tpu.memory_space<vmem>>
        %dma_start3A_417 = tpu.memref_squeeze %dma_start3A_416 : memref<1x72xi32, #tpu.memory_space<vmem>> -> memref<72xi32, #tpu.memory_space<vmem>>
        %dma_start3A_418 = arith.constant 0 : i32
        %dma_start3A_419 = arith.constant 0 : i32
        %dma_start3A_420 = tpu.memref_slice %arg3[%dma_start3A_418, %dma_start3A_419] : memref<1015808x64xf32, #tpu.memory_space<hbm>> -> memref<1015808x64xf32, #tpu.memory_space<hbm>>
        tpu.enqueue_indirect_dma source(%dma_start3A_420 : memref<1015808x64xf32, #tpu.memory_space<hbm>>) target(%dma_start3A_414 : memref<72x64xf32, #tpu.memory_space<vmem>>) offsets(%dma_start3A_417 : memref<72xi32, #tpu.memory_space<vmem>>) semaphore(%arg11 : memref<!tpu.dma_semaphore, #tpu.memory_space<semaphore_mem>>)
      } else {
      }
      %mul3A_296 = vector.broadcast %scan3A_98 : f32 to vector<16xf32>
      %mul3A_297 = arith.mulf %scan3A_287#0, %mul3A_296 : vector<16xf32>
      %swap3A_298 = arith.index_cast %add3A_252 : i32 to index
      %swap3A_299 = arith.constant 0 : index
      %swap3A_300 = tpu.vector_load %arg8[%swap3A_298, %swap3A_299] {strides = array<i32>} : memref<128x64xf32, #tpu.memory_space<vmem>>, vector<1x16xf32>,
      %swap3A_301 = vector.shape_cast %swap3A_300 : vector<1x16xf32> to vector<16xf32>
      %swap3A_302 = vector.shape_cast %mul3A_297 : vector<16xf32> to vector<1x16xf32>
      tpu.vector_store %arg8[%swap3A_298, %swap3A_299], %swap3A_302 {strides = array<i32>} : memref<128x64xf32, #tpu.memory_space<vmem>>, vector<1x16xf32>,
      %mul3A_303 = vector.broadcast %scan3A_98 : f32 to vector<16xf32>
      %mul3A_304 = arith.mulf %scan3A_287#1, %mul3A_303 : vector<16xf32>
      %swap3A_305 = arith.index_cast %add3A_252 : i32 to index
      %swap3A_306 = arith.constant 16 : index
      %swap3A_307 = tpu.vector_load %arg8[%swap3A_305, %swap3A_306] {strides = array<i32>} : memref<128x64xf32, #tpu.memory_space<vmem>>, vector<1x16xf32>,
      %swap3A_308 = vector.shape_cast %swap3A_307 : vector<1x16xf32> to vector<16xf32>
      %swap3A_309 = vector.shape_cast %mul3A_304 : vector<16xf32> to vector<1x16xf32>
      tpu.vector_store %arg8[%swap3A_305, %swap3A_306], %swap3A_309 {strides = array<i32>} : memref<128x64xf32, #tpu.memory_space<vmem>>, vector<1x16xf32>,
      %mul3A_310 = vector.broadcast %scan3A_98 : f32 to vector<16xf32>
      %mul3A_311 = arith.mulf %scan3A_287#2, %mul3A_310 : vector<16xf32>
      %swap3A_312 = arith.index_cast %add3A_252 : i32 to index
      %swap3A_313 = arith.constant 32 : index
      %swap3A_314 = tpu.vector_load %arg8[%swap3A_312, %swap3A_313] {strides = array<i32>} : memref<128x64xf32, #tpu.memory_space<vmem>>, vector<1x16xf32>,
      %swap3A_315 = vector.shape_cast %swap3A_314 : vector<1x16xf32> to vector<16xf32>
      %swap3A_316 = vector.shape_cast %mul3A_311 : vector<16xf32> to vector<1x16xf32>
      tpu.vector_store %arg8[%swap3A_312, %swap3A_313], %swap3A_316 {strides = array<i32>} : memref<128x64xf32, #tpu.memory_space<vmem>>, vector<1x16xf32>,
      %mul3A_317 = vector.broadcast %scan3A_98 : f32 to vector<16xf32>
      %mul3A_318 = arith.mulf %scan3A_287#3, %mul3A_317 : vector<16xf32>
      %swap3A_319 = arith.index_cast %add3A_252 : i32 to index
      %swap3A_320 = arith.constant 48 : index
      %swap3A_321 = tpu.vector_load %arg8[%swap3A_319, %swap3A_320] {strides = array<i32>} : memref<128x64xf32, #tpu.memory_space<vmem>>, vector<1x16xf32>,
      %swap3A_322 = vector.shape_cast %swap3A_321 : vector<1x16xf32> to vector<16xf32>
      %swap3A_323 = vector.shape_cast %mul3A_318 : vector<16xf32> to vector<1x16xf32>
      tpu.vector_store %arg8[%swap3A_319, %swap3A_320], %swap3A_323 {strides = array<i32>} : memref<128x64xf32, #tpu.memory_space<vmem>>, vector<1x16xf32>,
      %mul3A_324 = arith.constant 4 : i32
      %mul3A_325 = arith.muli %scan3A_104, %mul3A_324 : i32
      %add3A_326 = arith.constant 3 : i32
      %add3A_327 = arith.addi %mul3A_325, %add3A_326 : i32
      %dma_wait3A_328 = arith.constant 3 : i32
      %dma_wait3A_329 = arith.constant 0 : i32
      %dma_wait3A_330 = arith.constant 0 : i32
      %dma_wait3A_331 = tpu.memref_slice %arg7[%dma_wait3A_328, %dma_wait3A_329, %dma_wait3A_330] : memref<4x200x64xf32, #tpu.memory_space<vmem>> -> memref<1x128x64xf32, #tpu.memory_space<vmem>>
      %dma_wait3A_332 = tpu.memref_squeeze %dma_wait3A_331 : memref<1x128x64xf32, #tpu.memory_space<vmem>> -> memref<128x64xf32, #tpu.memory_space<vmem>>
      %dma_wait3A_333 = arith.constant 0 : i32
      %dma_wait3A_334 = tpu.memref_slice %arg5[%add3A_327, %dma_wait3A_333] : memref<128x128xi32, #tpu.memory_space<vmem>> -> memref<1x128xi32, #tpu.memory_space<vmem>>
      %dma_wait3A_335 = tpu.memref_squeeze %dma_wait3A_334 : memref<1x128xi32, #tpu.memory_space<vmem>> -> memref<128xi32, #tpu.memory_space<vmem>>
      %dma_wait3A_336 = arith.constant 0 : i32
      %dma_wait3A_337 = arith.constant 0 : i32
      %dma_wait3A_338 = tpu.memref_slice %arg3[%dma_wait3A_336, %dma_wait3A_337] : memref<1015808x64xf32, #tpu.memory_space<hbm>> -> memref<1015808x64xf32, #tpu.memory_space<hbm>>
      tpu.wait_indirect_dma semaphore(%arg12 : memref<!tpu.dma_semaphore, #tpu.memory_space<semaphore_mem>>) src(%dma_wait3A_338 : memref<1015808x64xf32, #tpu.memory_space<hbm>>) dst(%dma_wait3A_332 : memref<128x64xf32, #tpu.memory_space<vmem>>)
      %dma_wait3A_339 = arith.constant 3 : i32
      %dma_wait3A_340 = arith.constant 128 : i32
      %dma_wait3A_341 = arith.constant 0 : i32
      %dma_wait3A_342 = tpu.memref_slice %arg7[%dma_wait3A_339, %dma_wait3A_340, %dma_wait3A_341] : memref<4x200x64xf32, #tpu.memory_space<vmem>> -> memref<1x72x64xf32, #tpu.memory_space<vmem>>
      %dma_wait3A_343 = tpu.memref_squeeze %dma_wait3A_342 : memref<1x72x64xf32, #tpu.memory_space<vmem>> -> memref<72x64xf32, #tpu.memory_space<vmem>>
      %dma_wait3A_344 = arith.constant 0 : i32
      %dma_wait3A_345 = tpu.memref_slice %arg6[%add3A_327, %dma_wait3A_344] : memref<128x72xi32, #tpu.memory_space<vmem>> -> memref<1x72xi32, #tpu.memory_space<vmem>>
      %dma_wait3A_346 = tpu.memref_squeeze %dma_wait3A_345 : memref<1x72xi32, #tpu.memory_space<vmem>> -> memref<72xi32, #tpu.memory_space<vmem>>
      %dma_wait3A_347 = arith.constant 0 : i32
      %dma_wait3A_348 = arith.constant 0 : i32
      %dma_wait3A_349 = tpu.memref_slice %arg3[%dma_wait3A_347, %dma_wait3A_348] : memref<1015808x64xf32, #tpu.memory_space<hbm>> -> memref<1015808x64xf32, #tpu.memory_space<hbm>>
      tpu.wait_indirect_dma semaphore(%arg12 : memref<!tpu.dma_semaphore, #tpu.memory_space<semaphore_mem>>) src(%dma_wait3A_349 : memref<1015808x64xf32, #tpu.memory_space<hbm>>) dst(%dma_wait3A_343 : memref<72x64xf32, #tpu.memory_space<vmem>>)
      %broadcast_in_dim3A_350 = arith.constant 0.000000e+00 : f32
      %broadcast_in_dim3A_351 = vector.broadcast %broadcast_in_dim3A_350 : f32 to vector<16xf32>
      %broadcast_in_dim3A_352 = arith.constant 0.000000e+00 : f32
      %broadcast_in_dim3A_353 = vector.broadcast %broadcast_in_dim3A_352 : f32 to vector<16xf32>
      %broadcast_in_dim3A_354 = arith.constant 0.000000e+00 : f32
      %broadcast_in_dim3A_355 = vector.broadcast %broadcast_in_dim3A_354 : f32 to vector<16xf32>
      %broadcast_in_dim3A_356 = arith.constant 0.000000e+00 : f32
      %broadcast_in_dim3A_357 = vector.broadcast %broadcast_in_dim3A_356 : f32 to vector<16xf32>
      %scan3A_358 = arith.constant 0 : i32
      %scan3A_359 = arith.constant 25 : i32
      %scan3A_360 = arith.addi %scan3A_358, %scan3A_359 : i32
      %scan3A_361 = arith.constant 1 : i32
      %scan3A_362:4 = scf.for %scan3A_399 = %scan3A_358 to %scan3A_360 step %scan3A_361 iter_args(%scan3A_400 = %broadcast_in_dim3A_351, %scan3A_401 = %broadcast_in_dim3A_353, %scan3A_402 = %broadcast_in_dim3A_355, %scan3A_403 = %broadcast_in_dim3A_357) -> (vector<16xf32>, vector<16xf32>, vector<16xf32>, vector<16xf32>)  : i32 {
        %mul3A_404 = arith.constant 8 : i32
        %mul3A_405 = arith.muli %scan3A_399, %mul3A_404 : i32
        %add3A_406 = arith.constant 0 : i32
        %add3A_407 = arith.addi %mul3A_405, %add3A_406 : i32
        %get3A = arith.constant 3 : i32
        %get3A_408 = arith.index_cast %get3A : i32 to index
        %get3A_409 = arith.index_cast %add3A_407 : i32 to index
        %get3A_410 = arith.constant 0 : index
        %get3A_411 = tpu.vector_load %arg7[%get3A_408, %get3A_409, %get3A_410] {strides = array<i32>} : memref<4x200x64xf32, #tpu.memory_space<vmem>>, vector<1x1x16xf32>,
        %get3A_412 = vector.shape_cast %get3A_411 : vector<1x1x16xf32> to vector<16xf32>
        %add3A_413 = arith.addf %scan3A_400, %get3A_412 : vector<16xf32>
        %get3A_414 = arith.constant 3 : i32
        %get3A_415 = arith.index_cast %get3A_414 : i32 to index
        %get3A_416 = arith.index_cast %add3A_407 : i32 to index
        %get3A_417 = arith.constant 16 : index
        %get3A_418 = tpu.vector_load %arg7[%get3A_415, %get3A_416, %get3A_417] {strides = array<i32>} : memref<4x200x64xf32, #tpu.memory_space<vmem>>, vector<1x1x16xf32>,
        %get3A_419 = vector.shape_cast %get3A_418 : vector<1x1x16xf32> to vector<16xf32>
        %add3A_420 = arith.addf %scan3A_401, %get3A_419 : vector<16xf32>
        %get3A_421 = arith.constant 3 : i32
        %get3A_422 = arith.index_cast %get3A_421 : i32 to index
        %get3A_423 = arith.index_cast %add3A_407 : i32 to index
        %get3A_424 = arith.constant 32 : index
        %get3A_425 = tpu.vector_load %arg7[%get3A_422, %get3A_423, %get3A_424] {strides = array<i32>} : memref<4x200x64xf32, #tpu.memory_space<vmem>>, vector<1x1x16xf32>,
        %get3A_426 = vector.shape_cast %get3A_425 : vector<1x1x16xf32> to vector<16xf32>
        %add3A_427 = arith.addf %scan3A_402, %get3A_426 : vector<16xf32>
        %get3A_428 = arith.constant 3 : i32
        %get3A_429 = arith.index_cast %get3A_428 : i32 to index
        %get3A_430 = arith.index_cast %add3A_407 : i32 to index
        %get3A_431 = arith.constant 48 : index
        %get3A_432 = tpu.vector_load %arg7[%get3A_429, %get3A_430, %get3A_431] {strides = array<i32>} : memref<4x200x64xf32, #tpu.memory_space<vmem>>, vector<1x1x16xf32>,
        %get3A_433 = vector.shape_cast %get3A_432 : vector<1x1x16xf32> to vector<16xf32>
        %add3A_434 = arith.addf %scan3A_403, %get3A_433 : vector<16xf32>
        %mul3A_435 = arith.constant 8 : i32
        %mul3A_436 = arith.muli %scan3A_399, %mul3A_435 : i32
        %add3A_437 = arith.constant 1 : i32
        %add3A_438 = arith.addi %mul3A_436, %add3A_437 : i32
        %get3A_439 = arith.constant 3 : i32
        %get3A_440 = arith.index_cast %get3A_439 : i32 to index
        %get3A_441 = arith.index_cast %add3A_438 : i32 to index
        %get3A_442 = arith.constant 0 : index
        %get3A_443 = tpu.vector_load %arg7[%get3A_440, %get3A_441, %get3A_442] {strides = array<i32>} : memref<4x200x64xf32, #tpu.memory_space<vmem>>, vector<1x1x16xf32>,
        %get3A_444 = vector.shape_cast %get3A_443 : vector<1x1x16xf32> to vector<16xf32>
        %add3A_445 = arith.addf %add3A_413, %get3A_444 : vector<16xf32>
        %get3A_446 = arith.constant 3 : i32
        %get3A_447 = arith.index_cast %get3A_446 : i32 to index
        %get3A_448 = arith.index_cast %add3A_438 : i32 to index
        %get3A_449 = arith.constant 16 : index
        %get3A_450 = tpu.vector_load %arg7[%get3A_447, %get3A_448, %get3A_449] {strides = array<i32>} : memref<4x200x64xf32, #tpu.memory_space<vmem>>, vector<1x1x16xf32>,
        %get3A_451 = vector.shape_cast %get3A_450 : vector<1x1x16xf32> to vector<16xf32>
        %add3A_452 = arith.addf %add3A_420, %get3A_451 : vector<16xf32>
        %get3A_453 = arith.constant 3 : i32
        %get3A_454 = arith.index_cast %get3A_453 : i32 to index
        %get3A_455 = arith.index_cast %add3A_438 : i32 to index
        %get3A_456 = arith.constant 32 : index
        %get3A_457 = tpu.vector_load %arg7[%get3A_454, %get3A_455, %get3A_456] {strides = array<i32>} : memref<4x200x64xf32, #tpu.memory_space<vmem>>, vector<1x1x16xf32>,
        %get3A_458 = vector.shape_cast %get3A_457 : vector<1x1x16xf32> to vector<16xf32>
        %add3A_459 = arith.addf %add3A_427, %get3A_458 : vector<16xf32>
        %get3A_460 = arith.constant 3 : i32
        %get3A_461 = arith.index_cast %get3A_460 : i32 to index
        %get3A_462 = arith.index_cast %add3A_438 : i32 to index
        %get3A_463 = arith.constant 48 : index
        %get3A_464 = tpu.vector_load %arg7[%get3A_461, %get3A_462, %get3A_463] {strides = array<i32>} : memref<4x200x64xf32, #tpu.memory_space<vmem>>, vector<1x1x16xf32>,
        %get3A_465 = vector.shape_cast %get3A_464 : vector<1x1x16xf32> to vector<16xf32>
        %add3A_466 = arith.addf %add3A_434, %get3A_465 : vector<16xf32>
        %mul3A_467 = arith.constant 8 : i32
        %mul3A_468 = arith.muli %scan3A_399, %mul3A_467 : i32
        %add3A_469 = arith.constant 2 : i32
        %add3A_470 = arith.addi %mul3A_468, %add3A_469 : i32
        %get3A_471 = arith.constant 3 : i32
        %get3A_472 = arith.index_cast %get3A_471 : i32 to index
        %get3A_473 = arith.index_cast %add3A_470 : i32 to index
        %get3A_474 = arith.constant 0 : index
        %get3A_475 = tpu.vector_load %arg7[%get3A_472, %get3A_473, %get3A_474] {strides = array<i32>} : memref<4x200x64xf32, #tpu.memory_space<vmem>>, vector<1x1x16xf32>,
        %get3A_476 = vector.shape_cast %get3A_475 : vector<1x1x16xf32> to vector<16xf32>
        %add3A_477 = arith.addf %add3A_445, %get3A_476 : vector<16xf32>
        %get3A_478 = arith.constant 3 : i32
        %get3A_479 = arith.index_cast %get3A_478 : i32 to index
        %get3A_480 = arith.index_cast %add3A_470 : i32 to index
        %get3A_481 = arith.constant 16 : index
        %get3A_482 = tpu.vector_load %arg7[%get3A_479, %get3A_480, %get3A_481] {strides = array<i32>} : memref<4x200x64xf32, #tpu.memory_space<vmem>>, vector<1x1x16xf32>,
        %get3A_483 = vector.shape_cast %get3A_482 : vector<1x1x16xf32> to vector<16xf32>
        %add3A_484 = arith.addf %add3A_452, %get3A_483 : vector<16xf32>
        %get3A_485 = arith.constant 3 : i32
        %get3A_486 = arith.index_cast %get3A_485 : i32 to index
        %get3A_487 = arith.index_cast %add3A_470 : i32 to index
        %get3A_488 = arith.constant 32 : index
        %get3A_489 = tpu.vector_load %arg7[%get3A_486, %get3A_487, %get3A_488] {strides = array<i32>} : memref<4x200x64xf32, #tpu.memory_space<vmem>>, vector<1x1x16xf32>,
        %get3A_490 = vector.shape_cast %get3A_489 : vector<1x1x16xf32> to vector<16xf32>
        %add3A_491 = arith.addf %add3A_459, %get3A_490 : vector<16xf32>
        %get3A_492 = arith.constant 3 : i32
        %get3A_493 = arith.index_cast %get3A_492 : i32 to index
        %get3A_494 = arith.index_cast %add3A_470 : i32 to index
        %get3A_495 = arith.constant 48 : index
        %get3A_496 = tpu.vector_load %arg7[%get3A_493, %get3A_494, %get3A_495] {strides = array<i32>} : memref<4x200x64xf32, #tpu.memory_space<vmem>>, vector<1x1x16xf32>,
        %get3A_497 = vector.shape_cast %get3A_496 : vector<1x1x16xf32> to vector<16xf32>
        %add3A_498 = arith.addf %add3A_466, %get3A_497 : vector<16xf32>
        %mul3A_499 = arith.constant 8 : i32
        %mul3A_500 = arith.muli %scan3A_399, %mul3A_499 : i32
        %add3A_501 = arith.constant 3 : i32
        %add3A_502 = arith.addi %mul3A_500, %add3A_501 : i32
        %get3A_503 = arith.constant 3 : i32
        %get3A_504 = arith.index_cast %get3A_503 : i32 to index
        %get3A_505 = arith.index_cast %add3A_502 : i32 to index
        %get3A_506 = arith.constant 0 : index
        %get3A_507 = tpu.vector_load %arg7[%get3A_504, %get3A_505, %get3A_506] {strides = array<i32>} : memref<4x200x64xf32, #tpu.memory_space<vmem>>, vector<1x1x16xf32>,
        %get3A_508 = vector.shape_cast %get3A_507 : vector<1x1x16xf32> to vector<16xf32>
        %add3A_509 = arith.addf %add3A_477, %get3A_508 : vector<16xf32>
        %get3A_510 = arith.constant 3 : i32
        %get3A_511 = arith.index_cast %get3A_510 : i32 to index
        %get3A_512 = arith.index_cast %add3A_502 : i32 to index
        %get3A_513 = arith.constant 16 : index
        %get3A_514 = tpu.vector_load %arg7[%get3A_511, %get3A_512, %get3A_513] {strides = array<i32>} : memref<4x200x64xf32, #tpu.memory_space<vmem>>, vector<1x1x16xf32>,
        %get3A_515 = vector.shape_cast %get3A_514 : vector<1x1x16xf32> to vector<16xf32>
        %add3A_516 = arith.addf %add3A_484, %get3A_515 : vector<16xf32>
        %get3A_517 = arith.constant 3 : i32
        %get3A_518 = arith.index_cast %get3A_517 : i32 to index
        %get3A_519 = arith.index_cast %add3A_502 : i32 to index
        %get3A_520 = arith.constant 32 : index
        %get3A_521 = tpu.vector_load %arg7[%get3A_518, %get3A_519, %get3A_520] {strides = array<i32>} : memref<4x200x64xf32, #tpu.memory_space<vmem>>, vector<1x1x16xf32>,
        %get3A_522 = vector.shape_cast %get3A_521 : vector<1x1x16xf32> to vector<16xf32>
        %add3A_523 = arith.addf %add3A_491, %get3A_522 : vector<16xf32>
        %get3A_524 = arith.constant 3 : i32
        %get3A_525 = arith.index_cast %get3A_524 : i32 to index
        %get3A_526 = arith.index_cast %add3A_502 : i32 to index
        %get3A_527 = arith.constant 48 : index
        %get3A_528 = tpu.vector_load %arg7[%get3A_525, %get3A_526, %get3A_527] {strides = array<i32>} : memref<4x200x64xf32, #tpu.memory_space<vmem>>, vector<1x1x16xf32>,
        %get3A_529 = vector.shape_cast %get3A_528 : vector<1x1x16xf32> to vector<16xf32>
        %add3A_530 = arith.addf %add3A_498, %get3A_529 : vector<16xf32>
        %mul3A_531 = arith.constant 8 : i32
        %mul3A_532 = arith.muli %scan3A_399, %mul3A_531 : i32
        %add3A_533 = arith.constant 4 : i32
        %add3A_534 = arith.addi %mul3A_532, %add3A_533 : i32
        %get3A_535 = arith.constant 3 : i32
        %get3A_536 = arith.index_cast %get3A_535 : i32 to index
        %get3A_537 = arith.index_cast %add3A_534 : i32 to index
        %get3A_538 = arith.constant 0 : index
        %get3A_539 = tpu.vector_load %arg7[%get3A_536, %get3A_537, %get3A_538] {strides = array<i32>} : memref<4x200x64xf32, #tpu.memory_space<vmem>>, vector<1x1x16xf32>,
        %get3A_540 = vector.shape_cast %get3A_539 : vector<1x1x16xf32> to vector<16xf32>
        %add3A_541 = arith.addf %add3A_509, %get3A_540 : vector<16xf32>
        %get3A_542 = arith.constant 3 : i32
        %get3A_543 = arith.index_cast %get3A_542 : i32 to index
        %get3A_544 = arith.index_cast %add3A_534 : i32 to index
        %get3A_545 = arith.constant 16 : index
        %get3A_546 = tpu.vector_load %arg7[%get3A_543, %get3A_544, %get3A_545] {strides = array<i32>} : memref<4x200x64xf32, #tpu.memory_space<vmem>>, vector<1x1x16xf32>,
        %get3A_547 = vector.shape_cast %get3A_546 : vector<1x1x16xf32> to vector<16xf32>
        %add3A_548 = arith.addf %add3A_516, %get3A_547 : vector<16xf32>
        %get3A_549 = arith.constant 3 : i32
        %get3A_550 = arith.index_cast %get3A_549 : i32 to index
        %get3A_551 = arith.index_cast %add3A_534 : i32 to index
        %get3A_552 = arith.constant 32 : index
        %get3A_553 = tpu.vector_load %arg7[%get3A_550, %get3A_551, %get3A_552] {strides = array<i32>} : memref<4x200x64xf32, #tpu.memory_space<vmem>>, vector<1x1x16xf32>,
        %get3A_554 = vector.shape_cast %get3A_553 : vector<1x1x16xf32> to vector<16xf32>
        %add3A_555 = arith.addf %add3A_523, %get3A_554 : vector<16xf32>
        %get3A_556 = arith.constant 3 : i32
        %get3A_557 = arith.index_cast %get3A_556 : i32 to index
        %get3A_558 = arith.index_cast %add3A_534 : i32 to index
        %get3A_559 = arith.constant 48 : index
        %get3A_560 = tpu.vector_load %arg7[%get3A_557, %get3A_558, %get3A_559] {strides = array<i32>} : memref<4x200x64xf32, #tpu.memory_space<vmem>>, vector<1x1x16xf32>,
        %get3A_561 = vector.shape_cast %get3A_560 : vector<1x1x16xf32> to vector<16xf32>
        %add3A_562 = arith.addf %add3A_530, %get3A_561 : vector<16xf32>
        %mul3A_563 = arith.constant 8 : i32
        %mul3A_564 = arith.muli %scan3A_399, %mul3A_563 : i32
        %add3A_565 = arith.constant 5 : i32
        %add3A_566 = arith.addi %mul3A_564, %add3A_565 : i32
        %get3A_567 = arith.constant 3 : i32
        %get3A_568 = arith.index_cast %get3A_567 : i32 to index
        %get3A_569 = arith.index_cast %add3A_566 : i32 to index
        %get3A_570 = arith.constant 0 : index
        %get3A_571 = tpu.vector_load %arg7[%get3A_568, %get3A_569, %get3A_570] {strides = array<i32>} : memref<4x200x64xf32, #tpu.memory_space<vmem>>, vector<1x1x16xf32>,
        %get3A_572 = vector.shape_cast %get3A_571 : vector<1x1x16xf32> to vector<16xf32>
        %add3A_573 = arith.addf %add3A_541, %get3A_572 : vector<16xf32>
        %get3A_574 = arith.constant 3 : i32
        %get3A_575 = arith.index_cast %get3A_574 : i32 to index
        %get3A_576 = arith.index_cast %add3A_566 : i32 to index
        %get3A_577 = arith.constant 16 : index
        %get3A_578 = tpu.vector_load %arg7[%get3A_575, %get3A_576, %get3A_577] {strides = array<i32>} : memref<4x200x64xf32, #tpu.memory_space<vmem>>, vector<1x1x16xf32>,
        %get3A_579 = vector.shape_cast %get3A_578 : vector<1x1x16xf32> to vector<16xf32>
        %add3A_580 = arith.addf %add3A_548, %get3A_579 : vector<16xf32>
        %get3A_581 = arith.constant 3 : i32
        %get3A_582 = arith.index_cast %get3A_581 : i32 to index
        %get3A_583 = arith.index_cast %add3A_566 : i32 to index
        %get3A_584 = arith.constant 32 : index
        %get3A_585 = tpu.vector_load %arg7[%get3A_582, %get3A_583, %get3A_584] {strides = array<i32>} : memref<4x200x64xf32, #tpu.memory_space<vmem>>, vector<1x1x16xf32>,
        %get3A_586 = vector.shape_cast %get3A_585 : vector<1x1x16xf32> to vector<16xf32>
        %add3A_587 = arith.addf %add3A_555, %get3A_586 : vector<16xf32>
        %get3A_588 = arith.constant 3 : i32
        %get3A_589 = arith.index_cast %get3A_588 : i32 to index
        %get3A_590 = arith.index_cast %add3A_566 : i32 to index
        %get3A_591 = arith.constant 48 : index
        %get3A_592 = tpu.vector_load %arg7[%get3A_589, %get3A_590, %get3A_591] {strides = array<i32>} : memref<4x200x64xf32, #tpu.memory_space<vmem>>, vector<1x1x16xf32>,
        %get3A_593 = vector.shape_cast %get3A_592 : vector<1x1x16xf32> to vector<16xf32>
        %add3A_594 = arith.addf %add3A_562, %get3A_593 : vector<16xf32>
        %mul3A_595 = arith.constant 8 : i32
        %mul3A_596 = arith.muli %scan3A_399, %mul3A_595 : i32
        %add3A_597 = arith.constant 6 : i32
        %add3A_598 = arith.addi %mul3A_596, %add3A_597 : i32
        %get3A_599 = arith.constant 3 : i32
        %get3A_600 = arith.index_cast %get3A_599 : i32 to index
        %get3A_601 = arith.index_cast %add3A_598 : i32 to index
        %get3A_602 = arith.constant 0 : index
        %get3A_603 = tpu.vector_load %arg7[%get3A_600, %get3A_601, %get3A_602] {strides = array<i32>} : memref<4x200x64xf32, #tpu.memory_space<vmem>>, vector<1x1x16xf32>,
        %get3A_604 = vector.shape_cast %get3A_603 : vector<1x1x16xf32> to vector<16xf32>
        %add3A_605 = arith.addf %add3A_573, %get3A_604 : vector<16xf32>
        %get3A_606 = arith.constant 3 : i32
        %get3A_607 = arith.index_cast %get3A_606 : i32 to index
        %get3A_608 = arith.index_cast %add3A_598 : i32 to index
        %get3A_609 = arith.constant 16 : index
        %get3A_610 = tpu.vector_load %arg7[%get3A_607, %get3A_608, %get3A_609] {strides = array<i32>} : memref<4x200x64xf32, #tpu.memory_space<vmem>>, vector<1x1x16xf32>,
        %get3A_611 = vector.shape_cast %get3A_610 : vector<1x1x16xf32> to vector<16xf32>
        %add3A_612 = arith.addf %add3A_580, %get3A_611 : vector<16xf32>
        %get3A_613 = arith.constant 3 : i32
        %get3A_614 = arith.index_cast %get3A_613 : i32 to index
        %get3A_615 = arith.index_cast %add3A_598 : i32 to index
        %get3A_616 = arith.constant 32 : index
        %get3A_617 = tpu.vector_load %arg7[%get3A_614, %get3A_615, %get3A_616] {strides = array<i32>} : memref<4x200x64xf32, #tpu.memory_space<vmem>>, vector<1x1x16xf32>,
        %get3A_618 = vector.shape_cast %get3A_617 : vector<1x1x16xf32> to vector<16xf32>
        %add3A_619 = arith.addf %add3A_587, %get3A_618 : vector<16xf32>
        %get3A_620 = arith.constant 3 : i32
        %get3A_621 = arith.index_cast %get3A_620 : i32 to index
        %get3A_622 = arith.index_cast %add3A_598 : i32 to index
        %get3A_623 = arith.constant 48 : index
        %get3A_624 = tpu.vector_load %arg7[%get3A_621, %get3A_622, %get3A_623] {strides = array<i32>} : memref<4x200x64xf32, #tpu.memory_space<vmem>>, vector<1x1x16xf32>,
        %get3A_625 = vector.shape_cast %get3A_624 : vector<1x1x16xf32> to vector<16xf32>
        %add3A_626 = arith.addf %add3A_594, %get3A_625 : vector<16xf32>
        %mul3A_627 = arith.constant 8 : i32
        %mul3A_628 = arith.muli %scan3A_399, %mul3A_627 : i32
        %add3A_629 = arith.constant 7 : i32
        %add3A_630 = arith.addi %mul3A_628, %add3A_629 : i32
        %get3A_631 = arith.constant 3 : i32
        %get3A_632 = arith.index_cast %get3A_631 : i32 to index
        %get3A_633 = arith.index_cast %add3A_630 : i32 to index
        %get3A_634 = arith.constant 0 : index
        %get3A_635 = tpu.vector_load %arg7[%get3A_632, %get3A_633, %get3A_634] {strides = array<i32>} : memref<4x200x64xf32, #tpu.memory_space<vmem>>, vector<1x1x16xf32>,
        %get3A_636 = vector.shape_cast %get3A_635 : vector<1x1x16xf32> to vector<16xf32>
        %add3A_637 = arith.addf %add3A_605, %get3A_636 : vector<16xf32>
        %get3A_638 = arith.constant 3 : i32
        %get3A_639 = arith.index_cast %get3A_638 : i32 to index
        %get3A_640 = arith.index_cast %add3A_630 : i32 to index
        %get3A_641 = arith.constant 16 : index
        %get3A_642 = tpu.vector_load %arg7[%get3A_639, %get3A_640, %get3A_641] {strides = array<i32>} : memref<4x200x64xf32, #tpu.memory_space<vmem>>, vector<1x1x16xf32>,
        %get3A_643 = vector.shape_cast %get3A_642 : vector<1x1x16xf32> to vector<16xf32>
        %add3A_644 = arith.addf %add3A_612, %get3A_643 : vector<16xf32>
        %get3A_645 = arith.constant 3 : i32
        %get3A_646 = arith.index_cast %get3A_645 : i32 to index
        %get3A_647 = arith.index_cast %add3A_630 : i32 to index
        %get3A_648 = arith.constant 32 : index
        %get3A_649 = tpu.vector_load %arg7[%get3A_646, %get3A_647, %get3A_648] {strides = array<i32>} : memref<4x200x64xf32, #tpu.memory_space<vmem>>, vector<1x1x16xf32>,
        %get3A_650 = vector.shape_cast %get3A_649 : vector<1x1x16xf32> to vector<16xf32>
        %add3A_651 = arith.addf %add3A_619, %get3A_650 : vector<16xf32>
        %get3A_652 = arith.constant 3 : i32
        %get3A_653 = arith.index_cast %get3A_652 : i32 to index
        %get3A_654 = arith.index_cast %add3A_630 : i32 to index
        %get3A_655 = arith.constant 48 : index
        %get3A_656 = tpu.vector_load %arg7[%get3A_653, %get3A_654, %get3A_655] {strides = array<i32>} : memref<4x200x64xf32, #tpu.memory_space<vmem>>, vector<1x1x16xf32>,
        %get3A_657 = vector.shape_cast %get3A_656 : vector<1x1x16xf32> to vector<16xf32>
        %add3A_658 = arith.addf %add3A_626, %get3A_657 : vector<16xf32>
        scf.yield %add3A_637, %add3A_644, %add3A_651, %add3A_658 : vector<16xf32>, vector<16xf32>, vector<16xf32>, vector<16xf32>
      }
      %scan3A_363 = arith.constant 25 : i32
      %add3A_364 = arith.constant 4 : i32
      %add3A_365 = arith.addi %add3A_327, %add3A_364 : i32
      %lt3A_366 = arith.constant 128 : i32
      %lt3A_367 = arith.cmpi slt, %add3A_365, %lt3A_366 : i32
      %convert_element_type3A_368 = arith.extui %lt3A_367 : i1 to i32
      %cond3A_369 = arith.constant 0 : i32
      %cond3A_370 = arith.cmpi ne, %convert_element_type3A_368, %cond3A_369 : i32
      scf.if %cond3A_370 {
        %dma_start3A_399 = arith.constant 3 : i32
        %dma_start3A_400 = arith.constant 0 : i32
        %dma_start3A_401 = arith.constant 0 : i32
        %dma_start3A_402 = tpu.memref_slice %arg7[%dma_start3A_399, %dma_start3A_400, %dma_start3A_401] : memref<4x200x64xf32, #tpu.memory_space<vmem>> -> memref<1x128x64xf32, #tpu.memory_space<vmem>>
        %dma_start3A_403 = tpu.memref_squeeze %dma_start3A_402 : memref<1x128x64xf32, #tpu.memory_space<vmem>> -> memref<128x64xf32, #tpu.memory_space<vmem>>
        %dma_start3A_404 = arith.constant 0 : i32
        %dma_start3A_405 = tpu.memref_slice %arg5[%add3A_365, %dma_start3A_404] : memref<128x128xi32, #tpu.memory_space<vmem>> -> memref<1x128xi32, #tpu.memory_space<vmem>>
        %dma_start3A_406 = tpu.memref_squeeze %dma_start3A_405 : memref<1x128xi32, #tpu.memory_space<vmem>> -> memref<128xi32, #tpu.memory_space<vmem>>
        %dma_start3A_407 = arith.constant 0 : i32
        %dma_start3A_408 = arith.constant 0 : i32
        %dma_start3A_409 = tpu.memref_slice %arg3[%dma_start3A_407, %dma_start3A_408] : memref<1015808x64xf32, #tpu.memory_space<hbm>> -> memref<1015808x64xf32, #tpu.memory_space<hbm>>
        tpu.enqueue_indirect_dma source(%dma_start3A_409 : memref<1015808x64xf32, #tpu.memory_space<hbm>>) target(%dma_start3A_403 : memref<128x64xf32, #tpu.memory_space<vmem>>) offsets(%dma_start3A_406 : memref<128xi32, #tpu.memory_space<vmem>>) semaphore(%arg12 : memref<!tpu.dma_semaphore, #tpu.memory_space<semaphore_mem>>)
        %dma_start3A_410 = arith.constant 3 : i32
        %dma_start3A_411 = arith.constant 128 : i32
        %dma_start3A_412 = arith.constant 0 : i32
        %dma_start3A_413 = tpu.memref_slice %arg7[%dma_start3A_410, %dma_start3A_411, %dma_start3A_412] : memref<4x200x64xf32, #tpu.memory_space<vmem>> -> memref<1x72x64xf32, #tpu.memory_space<vmem>>
        %dma_start3A_414 = tpu.memref_squeeze %dma_start3A_413 : memref<1x72x64xf32, #tpu.memory_space<vmem>> -> memref<72x64xf32, #tpu.memory_space<vmem>>
        %dma_start3A_415 = arith.constant 0 : i32
        %dma_start3A_416 = tpu.memref_slice %arg6[%add3A_365, %dma_start3A_415] : memref<128x72xi32, #tpu.memory_space<vmem>> -> memref<1x72xi32, #tpu.memory_space<vmem>>
        %dma_start3A_417 = tpu.memref_squeeze %dma_start3A_416 : memref<1x72xi32, #tpu.memory_space<vmem>> -> memref<72xi32, #tpu.memory_space<vmem>>
        %dma_start3A_418 = arith.constant 0 : i32
        %dma_start3A_419 = arith.constant 0 : i32
        %dma_start3A_420 = tpu.memref_slice %arg3[%dma_start3A_418, %dma_start3A_419] : memref<1015808x64xf32, #tpu.memory_space<hbm>> -> memref<1015808x64xf32, #tpu.memory_space<hbm>>
        tpu.enqueue_indirect_dma source(%dma_start3A_420 : memref<1015808x64xf32, #tpu.memory_space<hbm>>) target(%dma_start3A_414 : memref<72x64xf32, #tpu.memory_space<vmem>>) offsets(%dma_start3A_417 : memref<72xi32, #tpu.memory_space<vmem>>) semaphore(%arg12 : memref<!tpu.dma_semaphore, #tpu.memory_space<semaphore_mem>>)
      } else {
      }
      %mul3A_371 = vector.broadcast %scan3A_98 : f32 to vector<16xf32>
      %mul3A_372 = arith.mulf %scan3A_362#0, %mul3A_371 : vector<16xf32>
      %swap3A_373 = arith.index_cast %add3A_327 : i32 to index
      %swap3A_374 = arith.constant 0 : index
      %swap3A_375 = tpu.vector_load %arg8[%swap3A_373, %swap3A_374] {strides = array<i32>} : memref<128x64xf32, #tpu.memory_space<vmem>>, vector<1x16xf32>,
      %swap3A_376 = vector.shape_cast %swap3A_375 : vector<1x16xf32> to vector<16xf32>
      %swap3A_377 = vector.shape_cast %mul3A_372 : vector<16xf32> to vector<1x16xf32>
      tpu.vector_store %arg8[%swap3A_373, %swap3A_374], %swap3A_377 {strides = array<i32>} : memref<128x64xf32, #tpu.memory_space<vmem>>, vector<1x16xf32>,
      %mul3A_378 = vector.broadcast %scan3A_98 : f32 to vector<16xf32>
      %mul3A_379 = arith.mulf %scan3A_362#1, %mul3A_378 : vector<16xf32>
      %swap3A_380 = arith.index_cast %add3A_327 : i32 to index
      %swap3A_381 = arith.constant 16 : index
      %swap3A_382 = tpu.vector_load %arg8[%swap3A_380, %swap3A_381] {strides = array<i32>} : memref<128x64xf32, #tpu.memory_space<vmem>>, vector<1x16xf32>,
      %swap3A_383 = vector.shape_cast %swap3A_382 : vector<1x16xf32> to vector<16xf32>
      %swap3A_384 = vector.shape_cast %mul3A_379 : vector<16xf32> to vector<1x16xf32>
      tpu.vector_store %arg8[%swap3A_380, %swap3A_381], %swap3A_384 {strides = array<i32>} : memref<128x64xf32, #tpu.memory_space<vmem>>, vector<1x16xf32>,
      %mul3A_385 = vector.broadcast %scan3A_98 : f32 to vector<16xf32>
      %mul3A_386 = arith.mulf %scan3A_362#2, %mul3A_385 : vector<16xf32>
      %swap3A_387 = arith.index_cast %add3A_327 : i32 to index
      %swap3A_388 = arith.constant 32 : index
      %swap3A_389 = tpu.vector_load %arg8[%swap3A_387, %swap3A_388] {strides = array<i32>} : memref<128x64xf32, #tpu.memory_space<vmem>>, vector<1x16xf32>,
      %swap3A_390 = vector.shape_cast %swap3A_389 : vector<1x16xf32> to vector<16xf32>
      %swap3A_391 = vector.shape_cast %mul3A_386 : vector<16xf32> to vector<1x16xf32>
      tpu.vector_store %arg8[%swap3A_387, %swap3A_388], %swap3A_391 {strides = array<i32>} : memref<128x64xf32, #tpu.memory_space<vmem>>, vector<1x16xf32>,
      %mul3A_392 = vector.broadcast %scan3A_98 : f32 to vector<16xf32>
      %mul3A_393 = arith.mulf %scan3A_362#3, %mul3A_392 : vector<16xf32>
      %swap3A_394 = arith.index_cast %add3A_327 : i32 to index
      %swap3A_395 = arith.constant 48 : index
      %swap3A_396 = tpu.vector_load %arg8[%swap3A_394, %swap3A_395] {strides = array<i32>} : memref<128x64xf32, #tpu.memory_space<vmem>>, vector<1x16xf32>,
      %swap3A_397 = vector.shape_cast %swap3A_396 : vector<1x16xf32> to vector<16xf32>
      %swap3A_398 = vector.shape_cast %mul3A_393 : vector<16xf32> to vector<1x16xf32>
      tpu.vector_store %arg8[%swap3A_394, %swap3A_395], %swap3A_398 {strides = array<i32>} : memref<128x64xf32, #tpu.memory_space<vmem>>, vector<1x16xf32>,
    }
    %scan3A_103 = arith.constant 32 : i32
    "tpu.region"() ({
      %run_scoped3A = tpu.sem_alloc : memref<!tpu.dma_semaphore, #tpu.memory_space<semaphore_mem>>
      %dma_start3A_104 = arith.constant 0 : i32
      %dma_start3A_105 = tpu.memref_slice %arg4[%mul3A_2, %dma_start3A_104] : memref<4096x64xf32, #tpu.memory_space<hbm>> -> memref<128x64xf32, #tpu.memory_space<hbm>>
      %dma_start3A_106 = arith.constant 0 : i32
      %dma_start3A_107 = tpu.memref_slice %arg4[%mul3A_2, %dma_start3A_106] : memref<4096x64xf32, #tpu.memory_space<hbm>> -> memref<128x64xf32, #tpu.memory_space<hbm>>
      tpu.enqueue_dma source(%arg8 : memref<128x64xf32, #tpu.memory_space<vmem>>) target(%dma_start3A_107 : memref<128x64xf32, #tpu.memory_space<hbm>>) target_semaphore(%run_scoped3A : memref<!tpu.dma_semaphore, #tpu.memory_space<semaphore_mem>>)
      %dma_wait3A = arith.constant 0 : i32
      %dma_wait3A_108 = tpu.memref_slice %arg4[%mul3A_2, %dma_wait3A] : memref<4096x64xf32, #tpu.memory_space<hbm>> -> memref<128x64xf32, #tpu.memory_space<hbm>>
      %dma_wait3A_109 = arith.constant 0 : i32
      %dma_wait3A_110 = tpu.memref_slice %arg4[%mul3A_2, %dma_wait3A_109] : memref<4096x64xf32, #tpu.memory_space<hbm>> -> memref<128x64xf32, #tpu.memory_space<hbm>>
      tpu.wait_dma2 semaphore(%run_scoped3A : memref<!tpu.dma_semaphore, #tpu.memory_space<semaphore_mem>>) src(%arg8 : memref<128x64xf32, #tpu.memory_space<vmem>>) dst(%dma_wait3A_110 : memref<128x64xf32, #tpu.memory_space<hbm>>)
      tpu.yield
    }) : () -> ()
    return
  }
}

module attributes {stable_mosaic.version = 14 : i64} {
  func.func @body(%arg0: i32, %arg1: memref<64x8192xf32, #tpu.memory_space<vmem>>, %arg2: memref<64x8192xf32, #tpu.memory_space<vmem>>, %arg3: memref<64x576xf32, #tpu.memory_space<vmem>>, %arg4: memref<8192x128xf32, #tpu.memory_space<vmem>>) attributes {dimension_semantics = [#tpu.dimension_semantics<parallel>], iteration_bounds = array<i64: 62>, scalar_prefetch = 0 : i64, scratch_operands = 0 : i64, tpu.core_type = #tpu.core_type<tc>, window_params = [{transform_indices = @transform_0, window_bounds = array<i64: 64, 8192>}, {transform_indices = @transform_1, window_bounds = array<i64: 64, 8192>}, {pipeline_mode = #tpu.pipeline_mode<synchronous>, transform_indices = @transform_2, window_bounds = array<i64: 64, 576>}, {transform_indices = @transform_3, window_bounds = array<i64: 8192, 128>}]} {
    %lt3A = arith.constant 61 : i32
    %lt3A_0 = arith.cmpi slt, %arg0, %lt3A : i32
    %convert_element_type3A = arith.extui %lt3A_0 : i1 to i32
    %cond3A = arith.constant 0 : i32
    %cond3A_1 = arith.cmpi ne, %convert_element_type3A, %cond3A : i32
    scf.if %cond3A_1 {
      %get3A = arith.constant 0 : index
      %get3A_6 = arith.constant 0 : index
      %get3A_7 = vector.load %arg1[%get3A, %get3A_6] : memref<64x8192xf32, #tpu.memory_space<vmem>>, vector<64x8192xf32>
      %transpose3A = tpu.transpose %get3A_7, [1, 0] : vector<64x8192xf32> -> vector<8192x64xf32>
      %get3A_8 = arith.constant 0 : index
      %get3A_9 = arith.constant 0 : index
      %get3A_10 = vector.load %arg2[%get3A_8, %get3A_9] : memref<64x8192xf32, #tpu.memory_space<vmem>>, vector<64x8192xf32>
      %transpose3A_11 = tpu.transpose %get3A_10, [1, 0] : vector<64x8192xf32> -> vector<8192x64xf32>
      %concatenate3A = tpu.concatenate %transpose3A, %transpose3A_11 in 1 : vector<8192x64xf32>, vector<8192x64xf32> -> vector<8192x128xf32>
      %swap3A = arith.constant 0 : index
      %swap3A_12 = arith.constant 0 : index
      %swap3A_13 = vector.load %arg4[%swap3A, %swap3A_12] : memref<8192x128xf32, #tpu.memory_space<vmem>>, vector<8192x128xf32>
      tpu.vector_store %arg4[%swap3A, %swap3A_12], %concatenate3A {strides = array<i32>} : memref<8192x128xf32, #tpu.memory_space<vmem>>, vector<8192x128xf32>,
    } else {
    }
    %eq3A = arith.constant 61 : i32
    %eq3A_2 = arith.cmpi eq, %arg0, %eq3A : i32
    %convert_element_type3A_3 = arith.extui %eq3A_2 : i1 to i32
    %cond3A_4 = arith.constant 0 : i32
    %cond3A_5 = arith.cmpi ne, %convert_element_type3A_3, %cond3A_4 : i32
    scf.if %cond3A_5 {
      %get3A = arith.constant 0 : index
      %get3A_6 = arith.constant 0 : index
      %get3A_7 = vector.load %arg3[%get3A, %get3A_6] : memref<64x576xf32, #tpu.memory_space<vmem>>, vector<64x288xf32>
      %transpose3A = tpu.transpose %get3A_7, [1, 0] : vector<64x288xf32> -> vector<288x64xf32>
      %swap3A = arith.constant 0 : index
      %swap3A_8 = arith.constant 0 : index
      %swap3A_9 = vector.load %arg4[%swap3A, %swap3A_8] : memref<8192x128xf32, #tpu.memory_space<vmem>>, vector<288x64xf32>
      tpu.vector_store %arg4[%swap3A, %swap3A_8], %transpose3A {strides = array<i32>} : memref<8192x128xf32, #tpu.memory_space<vmem>>, vector<288x64xf32>,
      %get3A_10 = arith.constant 0 : index
      %get3A_11 = arith.constant 288 : index
      %get3A_12 = vector.load %arg3[%get3A_10, %get3A_11] : memref<64x576xf32, #tpu.memory_space<vmem>>, vector<64x288xf32>
      %transpose3A_13 = tpu.transpose %get3A_12, [1, 0] : vector<64x288xf32> -> vector<288x64xf32>
      %swap3A_14 = arith.constant 0 : index
      %swap3A_15 = arith.constant 64 : index
      %swap3A_16 = vector.load %arg4[%swap3A_14, %swap3A_15] : memref<8192x128xf32, #tpu.memory_space<vmem>>, vector<288x64xf32>
      tpu.vector_store %arg4[%swap3A_14, %swap3A_15], %transpose3A_13 {strides = array<i32>} : memref<8192x128xf32, #tpu.memory_space<vmem>>, vector<288x64xf32>,
    } else {
    }
    return
  }
  func.func @transform_0(%arg0: i32) -> (i32, i32) {
    %min3A = arith.constant 60 : i32
    %min3A_0 = arith.minsi %arg0, %min3A : i32
    %c0_i32 = arith.constant 0 : i32
    %c0_i32_1 = arith.constant 0 : i32
    return %c0_i32, %min3A_0 : i32, i32
  }
  func.func @transform_1(%arg0: i32) -> (i32, i32) {
    %add3A = arith.constant 61 : i32
    %add3A_0 = arith.addi %arg0, %add3A : i32
    %min3A = arith.constant 121 : i32
    %min3A_1 = arith.minsi %add3A_0, %min3A : i32
    %c0_i32 = arith.constant 0 : i32
    %c0_i32_2 = arith.constant 0 : i32
    return %c0_i32, %min3A_1 : i32, i32
  }
  func.func @transform_2(%arg0: i32) -> (i32, i32) {
    %c0_i32 = arith.constant 0 : i32
    %c0_i32_0 = arith.constant 0 : i32
    %c0_i32_1 = arith.constant 0 : i32
    return %c0_i32, %c0_i32_0 : i32, i32
  }
  func.func @transform_3(%arg0: i32) -> (i32, i32) {
    %c0_i32 = arith.constant 0 : i32
    %c0_i32_0 = arith.constant 0 : i32
    return %arg0, %c0_i32 : i32, i32
  }
}

</mosaic_0001>

<sc_bundles>
// kernel: kernel.4.cloned.1.call-start
scs
__scs_entry_jumppad:
0x0: {  	(pc) =	sbr.rel $0x88, $3  }
0x1: {  	(tag) =	ssettag $0x0;
	lr =	simm.s32 $0x1  }
0x2: {  	[smem:$0x3F9F] =	sst lr;
	_ =	strace $0xD0000000  }
0x3: {  	_ = 	snop  }
0x4: {  	_ = 	snop  }
0x5: {  	_ = 	snop  }
0x6: {  	_ = 	snop  }
0x7: {  	_ = 	snop  }
__scs_overlays_trampoline_lowered:
0x8: {  	[smem:$0x3FAE] =	sst s0  }
0x9: {  	[smem:$0x3FAF] =	sst s1  }
0xa: {  	[smem:$0x3FB0] =	sst s2  }
0xb: {  	[smem:$0x3FB1] =	sst s3  }
0xc: {  	[smem:$0x3FB2] =	sst s4  }
0xd: {  	[smem:$0x3FB3] =	sst s5  }
0xe: {  	[smem:$0x3FB4] =	sst s6  }
0xf: {  	[smem:$0x3FB5] =	sst s7  }
0x10: {  	[smem:$0x3FB6] =	sst s8  }
0x11: {  	[smem:$0x3FB7] =	sst s9;
	s0 =	simm.s32 @!p0 $0x0  }
0x12: {  	s1 =	sld [smem:$0x3F9D];
	s0 =	simm.s32 @p0 $0x1  }
0x13: {  	[smem:$0x3FB8] =	sst s0;
	s0 =	simm.s32 @!p1 $0x0  }
0x14: {  	s2 =	sld [smem:$0x3F9C];
	s0 =	simm.s32 @p1 $0x1  }
0x15: {  	[smem:$0x3FB9] =	sst s0;
	s0 =	simm.s32 @!p2 $0x0  }
0x16: {  	s3 =	sld [smem:$0x3FDB];
	s0 =	simm.s32 @p2 $0x1  }
0x17: {  	s4 =	simm.s32 $0x1BF5;
	[smem:$0x3FBB] =	sst s0  }
0x18: {  	s0 =	sld [smem:$0x3F9E];
	_ =	swait.ge [sflag:s4], $0x0  }
0x19: {  	s7 =	sld [smem:$0x3F9F]  }
0x1a: {  	s8 =	sadd.s32 $0xFFFFE003, lr  }
0x1b: {  	s9 =	sadd.s32 $0xFFFFFEF7, lr;
	s5 =	simm.s32 $0xFFFFFFFF;
	p2 =	slt.u32 s8, $0xFFFFF086  }
0x1c: {  	p1 =	slt.u32 s9, $0xF7A;
	s5 =	simm.s32 @!p2 $0x0  }
0x1d: {  	s5 =	simm.s32 @p1 $0x1;
	p0 =	seq.s32 s7, s2  }
0x1e: {  	s7 =	smul.u32 @!p0 $0xF7A, s2;
	p2 =	seq.s32 @!p0 s5, $0x0  }
0x1f: {  	s9 =	smul.u32 $0xF7A, s1;
	s8 =	simm.s32 @!p0 $0x1BF5;
	p2 =	por !p2, p0  }
0x20: {  	[sflag:s8] =	ssyncset.s32 @!p0 $0xFFFFF086;
	s6 =	sadd.s32 @!p0 s3, s7;
	s7 =	simm.s32 @!p0 $0x108  }
0x21: {  	s3 =	sadd.s32 s3, s9;
	s6 =	sadd.s32 @!p0 $0x88, s6;
	s7 =	simm.s32 @p2 $0x1082  }
0x22: {  	[simem:s7], [sflag:s8] =	dma.local @!p0 [hbm:s6], $0xF7A  }
0x23: {  	s9 =	sor.u32 $0xD0000000, s2;
	s6 =	simm.s32 $0x108;
	_ =	swait.ge @!p0 [sflag:s8], $0x0  }
0x24: {  	s3 =	sadd.s32 $0x88, s3;
	s6 =	simm.s32 @!p1 $0x1082;
	[sflag:s4] =	ssyncset.s32 $0xFFFFF086  }
0x25: {  	[simem:s6], [sflag:s4] =	dma.local [hbm:s3], $0xF7A  }
0x26: {  	[smem:$0x3F9F] =	sst s1;
	(tag) =	ssettag s2;
	_ =	strace s9  }
0x27: {  	s1 =	sld [smem:$0x3FAF]  }
0x28: {  	s2 =	sld [smem:$0x3FB0]  }
0x29: {  	s4 =	sld [smem:$0x3FB2]  }
0x2a: {  	p0 =	seq.s32 s5, $0x0;
	s5 =	sld [smem:$0x3FB3]  }
0x2b: {  	s6 =	sld [smem:$0x3FB4]  }
0x2c: {  	s7 =	sld [smem:$0x3FB5]  }
0x2d: {  	s3 =	simm.s32 $0x108;
	s8 =	sld [smem:$0x3FB6]  }
0x2e: {  	s3 =	simm.s32 @!p0 $0x1082;
	s9 =	sld [smem:$0x3FB7]  }
0x2f: {  	lr =	sadd.s32 s0, s3;
	s0 =	sld [smem:$0x3FAE]  }
0x30: {  	s3 =	sld [smem:$0x3FB1]  }
0x31: {  	[smem:$0x3FBA] =	sst s10  }
0x32: {  	s10 =	sld [smem:$0x3FB8];
	_ =	sdelay $0x3  }
0x33: {  	p0 =	seq.s32 s10, $0x1;
	s10 =	sld [smem:$0x3FBA];
	_ =	sdelay $0x3  }
0x34: {  	[smem:$0x3FBA] =	sst s10  }
0x35: {  	s10 =	sld [smem:$0x3FB9];
	_ =	sdelay $0x3  }
0x36: {  	p1 =	seq.s32 s10, $0x1;
	s10 =	sld [smem:$0x3FBA];
	_ =	sdelay $0x3  }
0x37: {  	[smem:$0x3FBA] =	sst s10  }
0x38: {  	s10 =	sld [smem:$0x3FBB]  }
0x39: {  	_ = 	snop;
	(pc) =	sbr.ind lr, $3  }
0x3a: {  	_ = 	snop  }
0x3b: {  	_ = 	snop  }
0x3c: {  	p2 =	seq.s32 s10, $0x1;
	s10 =	sld [smem:$0x3FBA]  }
0x3d: {  	_ =	shalt  }
0x3e: {  	_ =	shalt  }
0x3f: {  	_ =	shalt  }
0x40: {  	_ =	shalt  }
0x41: {  	_ =	shalt  }
0x42: {  	_ =	shalt  }
0x43: {  	_ =	shalt  }
0x44: {  	_ =	shalt  }
0x45: {  	_ =	shalt  }
0x46: {  	_ =	shalt  }
0x47: {  	_ =	shalt  }
0x48: {  	_ =	shalt  }
0x49: {  	_ =	shalt  }
0x4a: {  	_ =	shalt  }
0x4b: {  	_ =	shalt  }
0x4c: {  	_ =	shalt  }
0x4d: {  	_ =	shalt  }
0x4e: {  	_ =	shalt  }
0x4f: {  	_ =	shalt  }
0x50: {  	_ =	shalt  }
0x51: {  	_ =	shalt  }
0x52: {  	_ =	shalt  }
0x53: {  	_ =	shalt  }
0x54: {  	_ =	shalt  }
0x55: {  	_ =	shalt  }
0x56: {  	_ =	shalt  }
0x57: {  	_ =	shalt  }
0x58: {  	_ =	shalt  }
0x59: {  	_ =	shalt  }
0x5a: {  	_ =	shalt  }
0x5b: {  	_ =	shalt  }
0x5c: {  	_ =	shalt  }
0x5d: {  	_ =	shalt  }
0x5e: {  	_ =	shalt  }
0x5f: {  	_ =	shalt  }
0x60: {  	_ =	shalt  }
0x61: {  	_ =	shalt  }
0x62: {  	_ =	shalt  }
0x63: {  	_ =	shalt  }
0x64: {  	_ =	shalt  }
0x65: {  	_ =	shalt  }
0x66: {  	_ =	shalt  }
0x67: {  	_ =	shalt  }
0x68: {  	_ =	shalt  }
0x69: {  	_ =	shalt  }
0x6a: {  	_ =	shalt  }
0x6b: {  	_ =	shalt  }
0x6c: {  	_ =	shalt  }
0x6d: {  	_ =	shalt  }
0x6e: {  	_ =	shalt  }
0x6f: {  	_ =	shalt  }
0x70: {  	_ =	shalt  }
0x71: {  	_ =	shalt  }
0x72: {  	_ =	shalt  }
0x73: {  	_ =	shalt  }
0x74: {  	_ =	shalt  }
0x75: {  	_ =	shalt  }
0x76: {  	_ =	shalt  }
0x77: {  	_ =	shalt  }
0x78: {  	_ =	shalt  }
0x79: {  	_ =	shalt  }
0x7a: {  	_ =	shalt  }
0x7b: {  	_ =	shalt  }
0x7c: {  	_ =	shalt  }
0x7d: {  	_ =	shalt  }
0x7e: {  	_ =	shalt  }
0x7f: {  	_ =	shalt  }
0x80: {  	_ =	shalt  }
0x81: {  	_ =	shalt  }
0x82: {  	_ =	shalt  }
0x83: {  	_ =	shalt  }
0x84: {  	_ =	shalt  }
0x85: {  	_ =	shalt  }
0x86: {  	_ =	shalt  }
0x87: {  	_ =	shalt  }
.Lfunc_end0:
.L_simem_size_0:
called_computation_lowered:
.L_overlay_start_0:
0x88: {  	s2 =	sld [smem:$0x3FD9]  }
0x89: {  	s3 =	sld [smem:$0x3FFE];
	_ =	sdelay $0x1  }
0x8a: {  	s1 =	srdreg.scid  }
0x8b: {  	s0 =	sand.u32 $0x1, s1  }
0x8c: {  	s17 =	sshll.u32 s0, $0xA;
	s2 =	sadd.s32 s3, s2  }
0x8d: {  	s2 =	sadd.s32 s2, s17  }
0x8e: {  	[smem:$0x3FC6] =	sst s2  }
0x8f: {  	_ = 	snop  }
0x90: {  	s2 =	sld [smem:$0x3FD0];
	(tm) =	ssettm $0x1  }
0x91: {  	s18 =	sld [smem:$0x3FFB];
	_ =	sdelay $0x3  }
0x92: {  	_ =	strace s18  }
0x93: {  	s3 =	sld [smem:$0x3FFC];
	_ =	sdelay $0x3  }
0x94: {  	_ =	strace s3  }
0x95: {  	s3 =	sld [smem:$0x3FFD];
	_ =	sdelay $0x3  }
0x96: {  	_ =	strace s3  }
0x97: {  	_ =	strace $0x8FFFFFFF  }
0x98: {  	s19 =	sld [smem:$0x3FDB];
	_ =	sdelay $0x1  }
0x99: {  	s4 =	simm.s32 $_scs_section_size  }
0x9a: {  	s5 =	simm.s32 $_size__tile_overlayer_lowered;
	s6 =	simm.s32 $_tile_overlayer_lowered  }
0x9b: {  	s22 =	simm.s32 $0x1BFF;
	s21 =	sshll.u32 s6, $0x1;
	s3 =	sadd.s32 s4, s19  }
0x9c: {  	s7 =	simm.s32 $0x0;
	s20 =	sshll.u32 s5, $0x1;
	s5 =	sadd.s32 s21, s3  }
0x9d: {  	[timem:s7], [sflag:s22] =	dma.local [hbm:s5], s20  }
0x9e: {  	_ =	swait.ge [sflag:s22], s20  }
0x9f: {  	s4 =	ssub.s32 $0x0, s20;
	[sflag:s22] =	ssyncset.done $0x0  }
0xa0: {  	[sflag:s22] =	ssyncadd.s32 s4;
	_ =	sdelay $0x1  }
0xa1: {  	s23 =	simm.s32 $0x1B8B  }
0xa2: {  	_ =	swait.ge [sflag:s23], $0x1  }
0xa3: {  	[sflag:s23] =	ssyncset.done $0x0  }
0xa4: {  	s25 =	simm.s32 $0x1B8E;
	s24 =	sld [smem:$0x3FFE];
	[sflag:s23] =	ssyncadd.s32 $0xFFFFFFFF  }
0xa5: {  	s26 =	simm.s32 $execute0_lowered;
	[smem:$0x3FD2] =	sst s25  }
0xa6: {  	s5 =	sshll.u32 s26, $0x1;
	_ =	strace $0x80000046;
	[dreg:$0x1] =	wrdreg $0xFFFFFFFF  }
0xa7: {  	s28 =	simm.s32 $_size_execute0_lowered;
	s3 =	sadd.s32 s3, s5;
	[dreg:$0x0] =	wrdreg $0x0  }
0xa8: {  	s5 =	sshll.u32 s28, $0x1;
	[dreg:$0x2] =	wrdreg s3  }
0xa9: {  	[dreg:$0x3] =	wrdreg s5  }
0xaa: {  	[dreg:$0x4] =	wrdreg $0xC0  }
0xab: {  	_ =	task [dreg:s7], $0x5FFFF  }
0xac: {  	[dreg:$0x1] =	wrdreg $0xFFFFFFFF  }
0xad: {  	[dreg:$0x0] =	wrdreg $0x60  }
0xae: {  	[dreg:$0x2] =	wrdreg s24  }
0xaf: {  	[dreg:$0x3] =	wrdreg s2  }
0xb0: {  	[dreg:$0x4] =	wrdreg $0x9  }
0xb1: {  	_ =	task.clear_ibuf [dreg:s7], $0x5FFFF;
	_ =	strace $0x90000046  }
0xb2: {  	s29 =	simm.s32 $0x9;
	_ =	strace $0x80000048  }
0xb3: {  	_ =	swait.ge [sflag:s29], $0x1  }
0xb4: {  	[sflag:s29] =	ssyncadd.s32 $0xFFFFFFFF  }
0xb5: {  	_ =	strace $0x90000048  }
0xb6: {  	_ =	sfence  }
0xb7: {  	s30 =	sld [smem:$0x0];
	_ =	sdelay $0x2  }
0xb8: {  	s31 =	sshll.u32 s1, $0xD;
	s1 =	sshrl.u32 s1, $0x2  }
0xb9: {  	s3 =	sand.u32 $0x4000, s31;
	s1 =	sadd.s32 s1, s30  }
0xba: {  	s0 =	sor.u32 s3, s0;
	s1 =	sshll.u32 s1, $0x11  }
0xbb: {  	s0 =	sor.u32 s1, s0  }
0xbc: {  	s0 =	sadd.s32 $0x8F2B, s0  }
0xbd: {  	[sflag:s0] =	ssyncadd.remote.s32 $0x1  }
0xbe: {  	_ =	sfence.sel $0xFFFF  }
0xbf: {  	[dreg:$0x0] =	wrdreg $0xFFFFFFFF;
	(pc) =	sbr.abs _section_cstart, $3  }
0xc0: {  	[dreg:$0x1] =	wrdreg $0xFFFFFFFF  }
0xc1: {  	_ =	task.clear_ibuf [dreg:s7], $0x2FFFF;
	_ =	strace $0x9FFFFFFF  }
0xc2: {  	(tm) =	ssettm $0x7FFFFFFF  }
0xc3: {  	_ =	shalt  }
tec
execute0_lowered:
.L_overlay_start_1:
0x0: {  	(tag) =	ssettag $0x1  }
0x1: {  	s0 =	srdreg.scid;
	s1 =	rddreg [dreg:$0x0]  }
0x2: {  	s2 =	stileid.u32;
	s6 =	rddreg [dreg:$0x1]  }
0x3: {  	s8 =	simm.s32 $0x80;
	s9 =	simm.s32 $0xC8;
	s10 =	simm.s32 $0x5  }
0x4: {  	s11 =	simm.s32 $0x48;
	s12 =	simm.s32 $0x4000;
	s19 =	simm.s32 $0xC800  }
0x5: {  	s20 =	simm.s32 $0x4090;
	s21 =	simm.s32 $0xE800;
	s22 =	simm.s32 $0x180  }
0x6: {  	s23 =	simm.s32 $0xFA00;
	s24 =	simm.s32 $0x40D8;
	s28 =	simm.s32 $0x2  }
0x7: {  	s29 =	simm.s32 $0x3;
	s30 =	simm.s32 $0x4;
	s31 =	simm.s32 $0x12C00  }
0x8: {  	s0 =	sand.u32 $0x1, s0;
	s3 =	sshll.u32 s2, $0x8;
	s2 =	simm.s32 $0x0  }
0x9: {  	s4 =	sshll.u32 s0, $0x7;
	[smem:$0x7FF] =	sst s2;
	s0 =	ssub.s32 $0x2, s0  }
0xa: {  	s5 =	sor.u32 s4, s3;
	_ =	strace $0x80000047;
	s25 =	sshrl.u32 s0, $0x1  }
0xb: {  	s3 =	smul.u32 $0x19, s5;
	s0 =	ssub.s32 s0, s25;
	s26 =	sshll.u32 s5, $0x3  }
0xc: {  	s25 =	simm.s32 $0x11A00;
	s6 =	sadd.s32 s6, s26;
	s26 =	simm.s32 $0x1  }
0xd: {  	s7 =	sadd.s32 s3, s1;
	s3 =	sadd.s32 $0x19400, s1;
	s1 =	simm.s32 $0x0  }
0xe: {  	s4 =	sadd.s32 $0x400, s7;
	s5 =	sadd.s32 $0x410, s7;
	s7 =	smax.u32 s0, $0x1  }
.LBB2_1:
0xf: {  	[tilespmem:s2], [sflag:$0x5] =	stream.strided.gather [hbm4b:s4+s8], $0x4000, s9, s8, $0x38;
	[tilespmem:$0x14C00] =	vst v63  }
0x10: {  	_ =	swait.ge [sflag:s10], $0x4000  }
0x11: {  	[sflag:s10] =	ssyncset.done $0x0  }
0x12: {  	[sflag:s10] =	ssyncadd.s32 $0xFFFFC000  }
0x13: {  	[tilespmem:s12], [sflag:$0x5] =	stream.strided.gather [hbm4b:s5+s11], $0x2400, s9, s11, $0x38;
	[tilespmem:$0x14C00] =	vst v63  }
0x14: {  	_ =	swait.ge [sflag:s10], $0x2400  }
0x15: {  	[sflag:s10] =	ssyncset.done $0x0  }
0x16: {  	s0 =	simm.s32 $0x6400;
	[sflag:s10] =	ssyncadd.s32 $0xFFFFDC00  }
0x17: {  	[tilespmem:s0], [sflag:$0x1] =	stream.indirect.gather [hbm4b:s3+s8], $0x40, s2, s8, $0xb8;
	[tilespmem:$0x14C00] =	vst v63  }
0x18: {  	s15 =	simm.s32 $0x8400  }
0x19: {  	[tilespmem:s15], [sflag:$0x1] =	stream.indirect.gather [hbm4b:s3+s11], $0x40, s12, s11, $0xb8;
	[tilespmem:$0x14C00] =	vst v63  }
0x1a: {  	s16 =	simm.s32 $0x9600  }
0x1b: {  	[tilespmem:s16], [sflag:$0x2] =	stream.indirect.gather [hbm4b:s3+s8], $0x40, s8, s8, $0xb8;
	[tilespmem:$0x14C00] =	vst v63  }
0x1c: {  	s17 =	simm.s32 $0x4048;
	s13 =	simm.s32 $0xB600  }
0x1d: {  	[tilespmem:s13], [sflag:$0x2] =	stream.indirect.gather [hbm4b:s3+s11], $0x40, s17, s11, $0xb8;
	[tilespmem:$0x14C00] =	vst v63  }
0x1e: {  	s18 =	simm.s32 $0x100  }
0x1f: {  	[tilespmem:s19], [sflag:$0x3] =	stream.indirect.gather [hbm4b:s3+s8], $0x40, s18, s8, $0xb8;
	[tilespmem:$0x14C00] =	vst v63  }
0x20: {  	_ = 	snop  }
0x21: {  	[tilespmem:s21], [sflag:$0x3] =	stream.indirect.gather [hbm4b:s3+s11], $0x40, s20, s11, $0xb8;
	[tilespmem:$0x14C00] =	vst v63  }
0x22: {  	_ = 	snop  }
0x23: {  	[tilespmem:s23], [sflag:$0x4] =	stream.indirect.gather [hbm4b:s3+s8], $0x40, s22, s8, $0xb8;
	[tilespmem:$0x14C00] =	vst v63  }
0x24: {  	s0 =	simm.s32 $0x0  }
0x25: {  	[tilespmem:s25], [sflag:$0x4] =	stream.indirect.gather [hbm4b:s3+s11], $0x40, s24, s11, $0xb8;
	[tilespmem:$0x14C00] =	vst v63  }
.LBB2_2:
0x26: {  	_ =	swait.ge [sflag:s26], $0x2000  }
0x27: {  	[sflag:s26] =	ssyncset.done $0x0  }
0x28: {  	[sflag:s26] =	ssyncadd.s32 $0xFFFFE000  }
0x29: {  	_ =	swait.ge [sflag:s26], $0x1200  }
0x2a: {  	[sflag:s26] =	ssyncset.done $0x0  }
0x2b: {  	s14 =	simm.s32 $0x0;
	[sflag:s26] =	ssyncadd.s32 $0xFFFFEE00  }
0x2c: {  	v1 =	vld [tilespmem:s14+$0x65C0]  }
0x2d: {  	v0 =	vld [tilespmem:s14+$0x65D0]  }
0x2e: {  	v2 =	vld [tilespmem:s14+$0x6580]  }
0x2f: {  	v3 =	vld [tilespmem:s14+$0x6590]  }
0x30: {  	v4 =	vld [tilespmem:s14+$0x6540]  }
0x31: {  	v5 =	vld [tilespmem:s14+$0x6550]  }
0x32: {  	v6 =	vld [tilespmem:s14+$0x6500]  }
0x33: {  	v7 =	vld [tilespmem:s14+$0x6510]  }
0x34: {  	v8 =	vld [tilespmem:s14+$0x64C0]  }
0x35: {  	v9 =	vld [tilespmem:s14+$0x64D0]  }
0x36: {  	v10 =	vld [tilespmem:s14+$0x6480]  }
0x37: {  	v11 =	vld [tilespmem:s14+$0x6490]  }
0x38: {  	v16 =	vld [tilespmem:s14+$0x6440]  }
0x39: {  	v17 =	vld [tilespmem:s14+$0x6450]  }
0x3a: {  	v18 =	vld [tilespmem:s14+$0x6400]  }
0x3b: {  	v12 =	vimm.f32 $0.0e+00;
	v20 =	vld [tilespmem:s14+$0x6410]  }
0x3c: {  	s13 =	simm.s32 $0x800;
	v15 =	vimm.f32 $0.0e+00;
	v14 =	vimm.f32 $0.0e+00;
	v13 =	vimm.f32 $0.0e+00;
	v19 =	vld [tilespmem:s14+$0x6420]  }
.LBB2_3:
0x3d: {  	p0 =	sne.s32 s13, $0xC000;
	v21 =	vld [tilespmem:s14+$0x6430]  }
0x3e: {  	v22 =	vld [tilespmem:s14+$0x6460]  }
0x3f: {  	v23 =	vld [tilespmem:s14+$0x6470]  }
0x40: {  	v24 =	vld [tilespmem:s14+$0x64A0]  }
0x41: {  	v12 =	vadd.f32 v18, v12;
	v15 =	vadd.f32 v20, v15;
	v18 =	vld [tilespmem:s14+$0x64B0]  }
0x42: {  	v14 =	vadd.f32 v19, v14;
	v13 =	vadd.f32 v21, v13;
	v19 =	vld [tilespmem:s14+$0x64E0]  }
0x43: {  	v12 =	vadd.f32 v16, v12;
	v15 =	vadd.f32 v17, v15;
	v16 =	vld [tilespmem:s14+$0x64F0]  }
0x44: {  	v14 =	vadd.f32 v22, v14;
	v13 =	vadd.f32 v23, v13;
	v17 =	vld [tilespmem:s14+$0x6520]  }
0x45: {  	v10 =	vadd.f32 v10, v12;
	v11 =	vadd.f32 v11, v15;
	v12 =	vld [tilespmem:s14+$0x6530]  }
0x46: {  	v14 =	vadd.f32 v24, v14;
	v13 =	vadd.f32 v18, v13;
	v15 =	vld [tilespmem:s14+$0x6560]  }
0x47: {  	v8 =	vadd.f32 v8, v10;
	v9 =	vadd.f32 v9, v11;
	v10 =	vld [tilespmem:s14+$0x6570]  }
0x48: {  	v11 =	vadd.f32 v19, v14;
	v13 =	vadd.f32 v16, v13;
	v14 =	vld [tilespmem:s14+$0x65A0]  }
0x49: {  	v6 =	vadd.f32 v6, v8;
	v7 =	vadd.f32 v7, v9;
	v8 =	vld [tilespmem:s14+$0x65B0]  }
0x4a: {  	v9 =	vadd.f32 v17, v11;
	v11 =	vadd.f32 v12, v13;
	v13 =	vld [tilespmem:s14+$0x65E0]  }
0x4b: {  	v4 =	vadd.f32 v4, v6;
	v5 =	vadd.f32 v5, v7;
	v6 =	vld [tilespmem:s14+$0x65F0];
	s14 =	sshra.s32 s13, $0x2  }
0x4c: {  	v9 =	vadd.f32 v15, v9;
	v7 =	vld [tilespmem:s14+$0x65C0];
	v10 =	vadd.f32 v10, v11  }
0x4d: {  	v4 =	vadd.f32 v2, v4;
	v5 =	vadd.f32 v3, v5;
	v11 =	vld [tilespmem:s14+$0x65D0]  }
0x4e: {  	v9 =	vadd.f32 v14, v9;
	v2 =	vld [tilespmem:s14+$0x6580];
	v8 =	vadd.f32 v8, v10  }
0x4f: {  	v12 =	vadd.f32 v1, v4;
	v15 =	vadd.f32 v0, v5;
	v3 =	vld [tilespmem:s14+$0x6590]  }
0x50: {  	v14 =	vadd.f32 v13, v9;
	v4 =	vld [tilespmem:s14+$0x6540];
	v13 =	vadd.f32 v6, v8  }
0x51: {  	v5 =	vld [tilespmem:s14+$0x6550];
	v1 =	vmov v7  }
0x52: {  	v6 =	vld [tilespmem:s14+$0x6500];
	v0 =	vmov v11  }
0x53: {  	v7 =	vld [tilespmem:s14+$0x6510]  }
0x54: {  	v8 =	vld [tilespmem:s14+$0x64C0]  }
0x55: {  	v9 =	vld [tilespmem:s14+$0x64D0]  }
0x56: {  	v10 =	vld [tilespmem:s14+$0x6480]  }
0x57: {  	v11 =	vld [tilespmem:s14+$0x6490]  }
.Ltmp0:
0x58: {  	v16 =	vld [tilespmem:s14+$0x6440];
	(pc) =	sbr.rel @p0 .LBB2_3-.Ltmp0, $4  }
0x59: {  	v17 =	vld [tilespmem:s14+$0x6450]  }
0x5a: {  	v18 =	vld [tilespmem:s14+$0x6400]  }
0x5b: {  	v20 =	vld [tilespmem:s14+$0x6410]  }
0x5c: {  	s13 =	sadd.s32 $0x800, s13;
	v19 =	vld [tilespmem:s14+$0x6420]  }
0x5d: {  	v21 =	vld [tilespmem:s14+$0x6430]  }
0x5e: {  	v22 =	vld [tilespmem:s14+$0x6460]  }
0x5f: {  	v23 =	vld [tilespmem:s14+$0x6470];
	v12 =	vadd.f32 v18, v12  }
0x60: {  	v24 =	vld [tilespmem:s14+$0x64A0];
	v15 =	vadd.f32 v20, v15  }
0x61: {  	v18 =	vld [tilespmem:s14+$0x64B0];
	v14 =	vadd.f32 v19, v14;
	v12 =	vadd.f32 v16, v12  }
0x62: {  	v19 =	vld [tilespmem:s14+$0x64E0];
	v13 =	vadd.f32 v21, v13;
	v15 =	vadd.f32 v17, v15  }
0x63: {  	v16 =	vld [tilespmem:s14+$0x64F0];
	v14 =	vadd.f32 v22, v14;
	v10 =	vadd.f32 v10, v12  }
0x64: {  	v17 =	vld [tilespmem:s14+$0x6520];
	v12 =	vadd.f32 v23, v13;
	v11 =	vadd.f32 v11, v15  }
0x65: {  	v13 =	vld [tilespmem:s14+$0x6530];
	v14 =	vadd.f32 v24, v14;
	v8 =	vadd.f32 v8, v10  }
0x66: {  	v15 =	vld [tilespmem:s14+$0x6560];
	v10 =	vadd.f32 v18, v12;
	v9 =	vadd.f32 v9, v11  }
0x67: {  	v11 =	vld [tilespmem:s14+$0x6570];
	v12 =	vadd.f32 v19, v14;
	v6 =	vadd.f32 v6, v8  }
0x68: {  	s13 =	sshll.u32 s0, $0x2;
	p0 =	seq.s32 s0, $0x1F;
	v14 =	vld [tilespmem:s14+$0x65A0];
	v8 =	vadd.f32 v16, v10;
	v7 =	vadd.f32 v7, v9  }
0x69: {  	s15 =	sadd.s32 @!p0 $0x4, s13;
	v9 =	vld [tilespmem:s14+$0x65B0];
	v10 =	vadd.f32 v17, v12;
	v4 =	vadd.f32 v4, v6  }
0x6a: {  	s17 =	simm.s32 @!p0 $0x6400;
	s16 =	sshll.u32 @!p0 s15, $0x7;
	v12 =	vld [tilespmem:s14+$0x65E0];
	v6 =	vadd.f32 v13, v8;
	v5 =	vadd.f32 v5, v7  }
0x6b: {  	s15 =	smul.u32 @!p0 $0x120, s15;
	s16 =	sand.u32 @!p0 $0x3FFFFF80, s16;
	v7 =	vld [tilespmem:s14+$0x65F0];
	s14 =	simm.s32 @!p0 $0x80;
	v8 =	vadd.f32 v15, v10;
	v2 =	vadd.f32 v2, v4  }
0x6c: {  	[tilespmem:s17], [sflag:$0x1] =	stream.indirect.gather @!p0 [hbm4b:s3+s14], $0x40, s16, s14, $0xb8;
	v4 =	vadd.f32 v11, v6;
	v3 =	vadd.f32 v3, v5;
	[tilespmem:$0x14C00] =	vst v63  }
0x6d: {  	s18 =	sshll.u32 s0, $0x8;
	s14 =	sshra.s32 @!p0 s15, $0x2;
	v5 =	vadd.f32 v14, v8;
	v1 =	vadd.f32 v1, v2  }
0x6e: {  	s15 =	simm.s32 @!p0 $0x48;
	s16 =	simm.s32 @!p0 $0x8400;
	s14 =	sadd.s32 @!p0 $0x4000, s14;
	v2 =	vadd.f32 v9, v4;
	v0 =	vadd.f32 v0, v3  }
0x6f: {  	[tilespmem:s16], [sflag:$0x1] =	stream.indirect.gather @!p0 [hbm4b:s3+s15], $0x40, s14, s15, $0xb8;
	v3 =	vadd.f32 v12, v5;
	v1 =	vmul.f32 $4.999999890e-03, v1;
	[tilespmem:$0x14C00] =	vst v63  }
0x70: {  	s14 =	sand.u32 $0x3FFFFF00, s18;
	v2 =	vadd.f32 v7, v2;
	v0 =	vmul.f32 $4.999999890e-03, v0  }
0x71: {  	[tilespmem:s14+$0x12C00] =	vst v1;
	v1 =	vmul.f32 $4.999999890e-03, v3  }
0x72: {  	[tilespmem:s14+$0x12C10] =	vst v0;
	v0 =	vmul.f32 $4.999999890e-03, v2  }
0x73: {  	[tilespmem:s14+$0x12C20] =	vst v1  }
0x74: {  	[tilespmem:s14+$0x12C30] =	vst v0  }
0x75: {  	_ =	swait.ge [sflag:s28], $0x2000  }
0x76: {  	[sflag:s28] =	ssyncset.done $0x0  }
0x77: {  	[sflag:s28] =	ssyncadd.s32 $0xFFFFE000  }
0x78: {  	_ =	swait.ge [sflag:s28], $0x1200  }
0x79: {  	[sflag:s28] =	ssyncset.done $0x0  }
0x7a: {  	s15 =	simm.s32 $0x0;
	[sflag:s28] =	ssyncadd.s32 $0xFFFFEE00  }
0x7b: {  	v0 =	vld [tilespmem:s15+$0x97C0]  }
0x7c: {  	v1 =	vld [tilespmem:s15+$0x97D0]  }
0x7d: {  	v2 =	vld [tilespmem:s15+$0x9780]  }
0x7e: {  	v3 =	vld [tilespmem:s15+$0x9790]  }
0x7f: {  	v4 =	vld [tilespmem:s15+$0x9740]  }
0x80: {  	v5 =	vld [tilespmem:s15+$0x9750]  }
0x81: {  	v6 =	vld [tilespmem:s15+$0x9700]  }
0x82: {  	v7 =	vld [tilespmem:s15+$0x9710]  }
0x83: {  	v9 =	vld [tilespmem:s15+$0x96C0]  }
0x84: {  	v8 =	vld [tilespmem:s15+$0x96D0]  }
0x85: {  	v11 =	vld [tilespmem:s15+$0x9680]  }
0x86: {  	v10 =	vld [tilespmem:s15+$0x9690]  }
0x87: {  	v17 =	vld [tilespmem:s15+$0x9640]  }
0x88: {  	v16 =	vld [tilespmem:s15+$0x9650]  }
0x89: {  	v19 =	vld [tilespmem:s15+$0x9600]  }
0x8a: {  	v13 =	vimm.f32 $0.0e+00;
	v20 =	vld [tilespmem:s15+$0x9610]  }
0x8b: {  	v15 =	vimm.f32 $0.0e+00;
	s16 =	simm.s32 $0x800;
	v14 =	vimm.f32 $0.0e+00;
	v12 =	vimm.f32 $0.0e+00;
	v18 =	vld [tilespmem:s15+$0x9620]  }
.LBB2_5:
0x8c: {  	p1 =	sne.s32 s16, $0xC000;
	v21 =	vld [tilespmem:s15+$0x9630]  }
0x8d: {  	v22 =	vld [tilespmem:s15+$0x9660]  }
0x8e: {  	v23 =	vld [tilespmem:s15+$0x9670]  }
0x8f: {  	v24 =	vld [tilespmem:s15+$0x96A0]  }
0x90: {  	v12 =	vadd.f32 v19, v12;
	v15 =	vadd.f32 v20, v15;
	v19 =	vld [tilespmem:s15+$0x96B0]  }
0x91: {  	v14 =	vadd.f32 v18, v14;
	v13 =	vadd.f32 v21, v13;
	v18 =	vld [tilespmem:s15+$0x96E0]  }
0x92: {  	v12 =	vadd.f32 v17, v12;
	v15 =	vadd.f32 v16, v15;
	v16 =	vld [tilespmem:s15+$0x96F0]  }
0x93: {  	v14 =	vadd.f32 v22, v14;
	v13 =	vadd.f32 v23, v13;
	v17 =	vld [tilespmem:s15+$0x9720]  }
0x94: {  	v11 =	vadd.f32 v11, v12;
	v10 =	vadd.f32 v10, v15;
	v12 =	vld [tilespmem:s15+$0x9730]  }
0x95: {  	v14 =	vadd.f32 v24, v14;
	v13 =	vadd.f32 v19, v13;
	v15 =	vld [tilespmem:s15+$0x9760]  }
0x96: {  	v9 =	vadd.f32 v9, v11;
	v8 =	vadd.f32 v8, v10;
	v10 =	vld [tilespmem:s15+$0x9770]  }
0x97: {  	v11 =	vadd.f32 v18, v14;
	v13 =	vadd.f32 v16, v13;
	v14 =	vld [tilespmem:s15+$0x97A0]  }
0x98: {  	v6 =	vadd.f32 v6, v9;
	v7 =	vadd.f32 v7, v8;
	v8 =	vld [tilespmem:s15+$0x97B0]  }
0x99: {  	v9 =	vadd.f32 v17, v11;
	v11 =	vadd.f32 v12, v13;
	v13 =	vld [tilespmem:s15+$0x97E0]  }
0x9a: {  	v4 =	vadd.f32 v4, v6;
	v5 =	vadd.f32 v5, v7;
	v6 =	vld [tilespmem:s15+$0x97F0];
	s15 =	sshra.s32 s16, $0x2  }
0x9b: {  	v9 =	vadd.f32 v15, v9;
	v7 =	vld [tilespmem:s15+$0x97C0];
	v10 =	vadd.f32 v10, v11  }
0x9c: {  	v4 =	vadd.f32 v2, v4;
	v5 =	vadd.f32 v3, v5;
	v11 =	vld [tilespmem:s15+$0x97D0]  }
0x9d: {  	v9 =	vadd.f32 v14, v9;
	v2 =	vld [tilespmem:s15+$0x9780];
	v8 =	vadd.f32 v8, v10  }
0x9e: {  	v12 =	vadd.f32 v0, v4;
	v15 =	vadd.f32 v1, v5;
	v3 =	vld [tilespmem:s15+$0x9790]  }
0x9f: {  	v14 =	vadd.f32 v13, v9;
	v4 =	vld [tilespmem:s15+$0x9740];
	v13 =	vadd.f32 v6, v8  }
0xa0: {  	v5 =	vld [tilespmem:s15+$0x9750];
	v0 =	vmov v7  }
0xa1: {  	v6 =	vld [tilespmem:s15+$0x9700];
	v1 =	vmov v11  }
0xa2: {  	v7 =	vld [tilespmem:s15+$0x9710]  }
0xa3: {  	v9 =	vld [tilespmem:s15+$0x96C0]  }
0xa4: {  	v8 =	vld [tilespmem:s15+$0x96D0]  }
0xa5: {  	v11 =	vld [tilespmem:s15+$0x9680]  }
0xa6: {  	v10 =	vld [tilespmem:s15+$0x9690]  }
.Ltmp1:
0xa7: {  	v17 =	vld [tilespmem:s15+$0x9640];
	(pc) =	sbr.rel @p1 .LBB2_5-.Ltmp1, $4  }
0xa8: {  	v16 =	vld [tilespmem:s15+$0x9650]  }
0xa9: {  	v19 =	vld [tilespmem:s15+$0x9600]  }
0xaa: {  	v20 =	vld [tilespmem:s15+$0x9610]  }
0xab: {  	s16 =	sadd.s32 $0x800, s16;
	v18 =	vld [tilespmem:s15+$0x9620]  }
0xac: {  	v21 =	vld [tilespmem:s15+$0x9630]  }
0xad: {  	v22 =	vld [tilespmem:s15+$0x9660]  }
0xae: {  	v23 =	vld [tilespmem:s15+$0x9670];
	v12 =	vadd.f32 v19, v12  }
0xaf: {  	v19 =	vld [tilespmem:s15+$0x96A0];
	v15 =	vadd.f32 v20, v15  }
0xb0: {  	v20 =	vld [tilespmem:s15+$0x96B0];
	v14 =	vadd.f32 v18, v14;
	v12 =	vadd.f32 v17, v12  }
0xb1: {  	v17 =	vld [tilespmem:s15+$0x96E0];
	v13 =	vadd.f32 v21, v13;
	v15 =	vadd.f32 v16, v15  }
0xb2: {  	v16 =	vld [tilespmem:s15+$0x96F0];
	v14 =	vadd.f32 v22, v14;
	v11 =	vadd.f32 v11, v12  }
0xb3: {  	v12 =	vadd.f32 v23, v13;
	v13 =	vld [tilespmem:s15+$0x9720];
	v10 =	vadd.f32 v10, v15  }
0xb4: {  	v15 =	vld [tilespmem:s15+$0x9730];
	v14 =	vadd.f32 v19, v14;
	v9 =	vadd.f32 v9, v11  }
0xb5: {  	v11 =	vadd.f32 v20, v12;
	v12 =	vld [tilespmem:s15+$0x9760];
	v8 =	vadd.f32 v8, v10  }
0xb6: {  	v10 =	vld [tilespmem:s15+$0x9770];
	v14 =	vadd.f32 v17, v14;
	v6 =	vadd.f32 v6, v9  }
0xb7: {  	v9 =	vadd.f32 v16, v11;
	v11 =	vld [tilespmem:s15+$0x97A0];
	v7 =	vadd.f32 v7, v8  }
0xb8: {  	v8 =	vld [tilespmem:s15+$0x97B0];
	v13 =	vadd.f32 v13, v14;
	v4 =	vadd.f32 v4, v6  }
0xb9: {  	s16 =	sadd.s32 @!p0 $0x5, s13;
	v6 =	vadd.f32 v15, v9;
	v9 =	vld [tilespmem:s15+$0x97E0];
	v5 =	vadd.f32 v5, v7  }
0xba: {  	s18 =	simm.s32 @!p0 $0x9600;
	s17 =	sshll.u32 @!p0 s16, $0x7;
	v7 =	vld [tilespmem:s15+$0x97F0];
	v12 =	vadd.f32 v12, v13;
	v2 =	vadd.f32 v2, v4  }
0xbb: {  	s16 =	smul.u32 @!p0 $0x120, s16;
	s15 =	sand.u32 @!p0 $0x3FFFFF80, s17;
	s17 =	simm.s32 @!p0 $0x80;
	v4 =	vadd.f32 v10, v6;
	v3 =	vadd.f32 v3, v5  }
0xbc: {  	[tilespmem:s18], [sflag:$0x2] =	stream.indirect.gather @!p0 [hbm4b:s3+s17], $0x40, s15, s17, $0xb8;
	v5 =	vadd.f32 v11, v12;
	v0 =	vadd.f32 v0, v2;
	[tilespmem:$0x14C00] =	vst v63  }
0xbd: {  	s15 =	sshra.s32 @!p0 s16, $0x2;
	v2 =	vadd.f32 v8, v4;
	v1 =	vadd.f32 v1, v3  }
0xbe: {  	s16 =	simm.s32 @!p0 $0x48;
	s17 =	simm.s32 @!p0 $0xB600;
	s15 =	sadd.s32 @!p0 $0x4000, s15;
	v3 =	vadd.f32 v9, v5;
	v0 =	vmul.f32 $4.999999890e-03, v0  }
0xbf: {  	[tilespmem:s17], [sflag:$0x2] =	stream.indirect.gather @!p0 [hbm4b:s3+s16], $0x40, s15, s16, $0xb8;
	v2 =	vadd.f32 v7, v2;
	v1 =	vmul.f32 $4.999999890e-03, v1;
	[tilespmem:$0x14C00] =	vst v63  }
0xc0: {  	[tilespmem:s14+$0x12C40] =	vst v0;
	v0 =	vmul.f32 $4.999999890e-03, v3  }
0xc1: {  	[tilespmem:s14+$0x12C50] =	vst v1;
	v1 =	vmul.f32 $4.999999890e-03, v2  }
0xc2: {  	[tilespmem:s14+$0x12C60] =	vst v0  }
0xc3: {  	[tilespmem:s14+$0x12C70] =	vst v1  }
0xc4: {  	_ =	swait.ge [sflag:s29], $0x2000  }
0xc5: {  	[sflag:s29] =	ssyncset.done $0x0  }
0xc6: {  	[sflag:s29] =	ssyncadd.s32 $0xFFFFE000  }
0xc7: {  	_ =	swait.ge [sflag:s29], $0x1200  }
0xc8: {  	[sflag:s29] =	ssyncset.done $0x0  }
0xc9: {  	s15 =	simm.s32 $0x0;
	[sflag:s29] =	ssyncadd.s32 $0xFFFFEE00  }
0xca: {  	v0 =	vld [tilespmem:s15+$0xC9C0]  }
0xcb: {  	v1 =	vld [tilespmem:s15+$0xC9D0]  }
0xcc: {  	v2 =	vld [tilespmem:s15+$0xC980]  }
0xcd: {  	v3 =	vld [tilespmem:s15+$0xC990]  }
0xce: {  	v4 =	vld [tilespmem:s15+$0xC940]  }
0xcf: {  	v5 =	vld [tilespmem:s15+$0xC950]  }
0xd0: {  	v6 =	vld [tilespmem:s15+$0xC900]  }
0xd1: {  	v7 =	vld [tilespmem:s15+$0xC910]  }
0xd2: {  	v9 =	vld [tilespmem:s15+$0xC8C0]  }
0xd3: {  	v8 =	vld [tilespmem:s15+$0xC8D0]  }
0xd4: {  	v11 =	vld [tilespmem:s15+$0xC880]  }
0xd5: {  	v10 =	vld [tilespmem:s15+$0xC890]  }
0xd6: {  	v17 =	vld [tilespmem:s15+$0xC840]  }
0xd7: {  	v16 =	vld [tilespmem:s15+$0xC850]  }
0xd8: {  	v19 =	vld [tilespmem:s15+$0xC800]  }
0xd9: {  	v14 =	vimm.f32 $0.0e+00;
	v20 =	vld [tilespmem:s15+$0xC810]  }
0xda: {  	v15 =	vimm.f32 $0.0e+00;
	v13 =	vimm.f32 $0.0e+00;
	v12 =	vimm.f32 $0.0e+00;
	s16 =	simm.s32 $0x800;
	v18 =	vld [tilespmem:s15+$0xC820]  }
.LBB2_7:
0xdb: {  	p1 =	sne.s32 s16, $0xC000;
	v21 =	vld [tilespmem:s15+$0xC830]  }
0xdc: {  	v22 =	vld [tilespmem:s15+$0xC860]  }
0xdd: {  	v23 =	vld [tilespmem:s15+$0xC870]  }
0xde: {  	v24 =	vld [tilespmem:s15+$0xC8A0]  }
0xdf: {  	v12 =	vadd.f32 v19, v12;
	v15 =	vadd.f32 v20, v15;
	v19 =	vld [tilespmem:s15+$0xC8B0]  }
0xe0: {  	v14 =	vadd.f32 v18, v14;
	v13 =	vadd.f32 v21, v13;
	v18 =	vld [tilespmem:s15+$0xC8E0]  }
0xe1: {  	v12 =	vadd.f32 v17, v12;
	v15 =	vadd.f32 v16, v15;
	v16 =	vld [tilespmem:s15+$0xC8F0]  }
0xe2: {  	v14 =	vadd.f32 v22, v14;
	v13 =	vadd.f32 v23, v13;
	v17 =	vld [tilespmem:s15+$0xC920]  }
0xe3: {  	v11 =	vadd.f32 v11, v12;
	v10 =	vadd.f32 v10, v15;
	v12 =	vld [tilespmem:s15+$0xC930]  }
0xe4: {  	v14 =	vadd.f32 v24, v14;
	v13 =	vadd.f32 v19, v13;
	v15 =	vld [tilespmem:s15+$0xC960]  }
0xe5: {  	v9 =	vadd.f32 v9, v11;
	v8 =	vadd.f32 v8, v10;
	v10 =	vld [tilespmem:s15+$0xC970]  }
0xe6: {  	v11 =	vadd.f32 v18, v14;
	v13 =	vadd.f32 v16, v13;
	v14 =	vld [tilespmem:s15+$0xC9A0]  }
0xe7: {  	v6 =	vadd.f32 v6, v9;
	v7 =	vadd.f32 v7, v8;
	v8 =	vld [tilespmem:s15+$0xC9B0]  }
0xe8: {  	v9 =	vadd.f32 v17, v11;
	v11 =	vadd.f32 v12, v13;
	v13 =	vld [tilespmem:s15+$0xC9E0]  }
0xe9: {  	v4 =	vadd.f32 v4, v6;
	v5 =	vadd.f32 v5, v7;
	v6 =	vld [tilespmem:s15+$0xC9F0];
	s15 =	sshra.s32 s16, $0x2  }
0xea: {  	v9 =	vadd.f32 v15, v9;
	v7 =	vld [tilespmem:s15+$0xC9C0];
	v10 =	vadd.f32 v10, v11  }
0xeb: {  	v4 =	vadd.f32 v2, v4;
	v5 =	vadd.f32 v3, v5;
	v11 =	vld [tilespmem:s15+$0xC9D0]  }
0xec: {  	v9 =	vadd.f32 v14, v9;
	v2 =	vld [tilespmem:s15+$0xC980];
	v8 =	vadd.f32 v8, v10  }
0xed: {  	v12 =	vadd.f32 v0, v4;
	v15 =	vadd.f32 v1, v5;
	v3 =	vld [tilespmem:s15+$0xC990]  }
0xee: {  	v14 =	vadd.f32 v13, v9;
	v4 =	vld [tilespmem:s15+$0xC940];
	v13 =	vadd.f32 v6, v8  }
0xef: {  	v5 =	vld [tilespmem:s15+$0xC950];
	v0 =	vmov v7  }
0xf0: {  	v6 =	vld [tilespmem:s15+$0xC900];
	v1 =	vmov v11  }
0xf1: {  	v7 =	vld [tilespmem:s15+$0xC910]  }
0xf2: {  	v9 =	vld [tilespmem:s15+$0xC8C0]  }
0xf3: {  	v8 =	vld [tilespmem:s15+$0xC8D0]  }
0xf4: {  	v11 =	vld [tilespmem:s15+$0xC880]  }
0xf5: {  	v10 =	vld [tilespmem:s15+$0xC890]  }
.Ltmp2:
0xf6: {  	v17 =	vld [tilespmem:s15+$0xC840];
	(pc) =	sbr.rel @p1 .LBB2_7-.Ltmp2, $4  }
0xf7: {  	v16 =	vld [tilespmem:s15+$0xC850]  }
0xf8: {  	v19 =	vld [tilespmem:s15+$0xC800]  }
0xf9: {  	v20 =	vld [tilespmem:s15+$0xC810]  }
0xfa: {  	s16 =	sadd.s32 $0x800, s16;
	v18 =	vld [tilespmem:s15+$0xC820]  }
0xfb: {  	v21 =	vld [tilespmem:s15+$0xC830]  }
0xfc: {  	v22 =	vld [tilespmem:s15+$0xC860]  }
0xfd: {  	v23 =	vld [tilespmem:s15+$0xC870];
	v12 =	vadd.f32 v19, v12  }
0xfe: {  	v19 =	vld [tilespmem:s15+$0xC8A0];
	v15 =	vadd.f32 v20, v15  }
0xff: {  	v20 =	vld [tilespmem:s15+$0xC8B0];
	v14 =	vadd.f32 v18, v14;
	v12 =	vadd.f32 v17, v12  }
0x100: {  	v17 =	vld [tilespmem:s15+$0xC8E0];
	v13 =	vadd.f32 v21, v13;
	v15 =	vadd.f32 v16, v15  }
0x101: {  	v16 =	vld [tilespmem:s15+$0xC8F0];
	v14 =	vadd.f32 v22, v14;
	v11 =	vadd.f32 v11, v12  }
0x102: {  	v12 =	vadd.f32 v23, v13;
	v13 =	vld [tilespmem:s15+$0xC920];
	v10 =	vadd.f32 v10, v15  }
0x103: {  	v15 =	vld [tilespmem:s15+$0xC930];
	v14 =	vadd.f32 v19, v14;
	v9 =	vadd.f32 v9, v11  }
0x104: {  	v11 =	vadd.f32 v20, v12;
	v12 =	vld [tilespmem:s15+$0xC960];
	v8 =	vadd.f32 v8, v10  }
0x105: {  	v10 =	vld [tilespmem:s15+$0xC970];
	v14 =	vadd.f32 v17, v14;
	v6 =	vadd.f32 v6, v9  }
0x106: {  	v9 =	vadd.f32 v16, v11;
	v11 =	vld [tilespmem:s15+$0xC9A0];
	v7 =	vadd.f32 v7, v8  }
0x107: {  	v8 =	vld [tilespmem:s15+$0xC9B0];
	v13 =	vadd.f32 v13, v14;
	v4 =	vadd.f32 v4, v6  }
0x108: {  	s16 =	sadd.s32 @!p0 $0x6, s13;
	v6 =	vadd.f32 v15, v9;
	v9 =	vld [tilespmem:s15+$0xC9E0];
	v5 =	vadd.f32 v5, v7  }
0x109: {  	s18 =	simm.s32 @!p0 $0xC800;
	s17 =	sshll.u32 @!p0 s16, $0x7;
	v7 =	vld [tilespmem:s15+$0xC9F0];
	v12 =	vadd.f32 v12, v13;
	v2 =	vadd.f32 v2, v4  }
0x10a: {  	s16 =	smul.u32 @!p0 $0x120, s16;
	s15 =	sand.u32 @!p0 $0x3FFFFF80, s17;
	s17 =	simm.s32 @!p0 $0x80;
	v4 =	vadd.f32 v10, v6;
	v3 =	vadd.f32 v3, v5  }
0x10b: {  	[tilespmem:s18], [sflag:$0x3] =	stream.indirect.gather @!p0 [hbm4b:s3+s17], $0x40, s15, s17, $0xb8;
	v5 =	vadd.f32 v11, v12;
	v0 =	vadd.f32 v0, v2;
	[tilespmem:$0x14C00] =	vst v63  }
0x10c: {  	s15 =	sshra.s32 @!p0 s16, $0x2;
	v2 =	vadd.f32 v8, v4;
	v1 =	vadd.f32 v1, v3  }
0x10d: {  	s16 =	simm.s32 @!p0 $0x48;
	s17 =	simm.s32 @!p0 $0xE800;
	s15 =	sadd.s32 @!p0 $0x4000, s15;
	v3 =	vadd.f32 v9, v5;
	v0 =	vmul.f32 $4.999999890e-03, v0  }
0x10e: {  	[tilespmem:s17], [sflag:$0x3] =	stream.indirect.gather @!p0 [hbm4b:s3+s16], $0x40, s15, s16, $0xb8;
	v2 =	vadd.f32 v7, v2;
	v1 =	vmul.f32 $4.999999890e-03, v1;
	[tilespmem:$0x14C00] =	vst v63  }
0x10f: {  	[tilespmem:s14+$0x12C80] =	vst v0;
	v0 =	vmul.f32 $4.999999890e-03, v3  }
0x110: {  	[tilespmem:s14+$0x12C90] =	vst v1;
	v1 =	vmul.f32 $4.999999890e-03, v2  }
0x111: {  	[tilespmem:s14+$0x12CA0] =	vst v0  }
0x112: {  	[tilespmem:s14+$0x12CB0] =	vst v1  }
0x113: {  	_ =	swait.ge [sflag:s30], $0x2000  }
0x114: {  	[sflag:s30] =	ssyncset.done $0x0  }
0x115: {  	[sflag:s30] =	ssyncadd.s32 $0xFFFFE000  }
0x116: {  	_ =	swait.ge [sflag:s30], $0x1200  }
0x117: {  	[sflag:s30] =	ssyncset.done $0x0  }
0x118: {  	s15 =	simm.s32 $0x0;
	[sflag:s30] =	ssyncadd.s32 $0xFFFFEE00  }
0x119: {  	v0 =	vld [tilespmem:s15+$0xFBC0]  }
0x11a: {  	v1 =	vld [tilespmem:s15+$0xFBD0]  }
0x11b: {  	v2 =	vld [tilespmem:s15+$0xFB80]  }
0x11c: {  	v3 =	vld [tilespmem:s15+$0xFB90]  }
0x11d: {  	v4 =	vld [tilespmem:s15+$0xFB40]  }
0x11e: {  	v5 =	vld [tilespmem:s15+$0xFB50]  }
0x11f: {  	v6 =	vld [tilespmem:s15+$0xFB00]  }
0x120: {  	v7 =	vld [tilespmem:s15+$0xFB10]  }
0x121: {  	v9 =	vld [tilespmem:s15+$0xFAC0]  }
0x122: {  	v8 =	vld [tilespmem:s15+$0xFAD0]  }
0x123: {  	v11 =	vld [tilespmem:s15+$0xFA80]  }
0x124: {  	v10 =	vld [tilespmem:s15+$0xFA90]  }
0x125: {  	v17 =	vld [tilespmem:s15+$0xFA40]  }
0x126: {  	v16 =	vld [tilespmem:s15+$0xFA50]  }
0x127: {  	v19 =	vld [tilespmem:s15+$0xFA00]  }
0x128: {  	v14 =	vimm.f32 $0.0e+00;
	v20 =	vld [tilespmem:s15+$0xFA10]  }
0x129: {  	v15 =	vimm.f32 $0.0e+00;
	v13 =	vimm.f32 $0.0e+00;
	v12 =	vimm.f32 $0.0e+00;
	s16 =	simm.s32 $0x800;
	v18 =	vld [tilespmem:s15+$0xFA20]  }
.LBB2_9:
0x12a: {  	p1 =	sne.s32 s16, $0xC000;
	v21 =	vld [tilespmem:s15+$0xFA30]  }
0x12b: {  	v22 =	vld [tilespmem:s15+$0xFA60]  }
0x12c: {  	v23 =	vld [tilespmem:s15+$0xFA70]  }
0x12d: {  	v24 =	vld [tilespmem:s15+$0xFAA0]  }
0x12e: {  	v12 =	vadd.f32 v19, v12;
	v15 =	vadd.f32 v20, v15;
	v19 =	vld [tilespmem:s15+$0xFAB0]  }
0x12f: {  	v14 =	vadd.f32 v18, v14;
	v13 =	vadd.f32 v21, v13;
	v18 =	vld [tilespmem:s15+$0xFAE0]  }
0x130: {  	v12 =	vadd.f32 v17, v12;
	v15 =	vadd.f32 v16, v15;
	v16 =	vld [tilespmem:s15+$0xFAF0]  }
0x131: {  	v14 =	vadd.f32 v22, v14;
	v13 =	vadd.f32 v23, v13;
	v17 =	vld [tilespmem:s15+$0xFB20]  }
0x132: {  	v11 =	vadd.f32 v11, v12;
	v10 =	vadd.f32 v10, v15;
	v12 =	vld [tilespmem:s15+$0xFB30]  }
0x133: {  	v14 =	vadd.f32 v24, v14;
	v13 =	vadd.f32 v19, v13;
	v15 =	vld [tilespmem:s15+$0xFB60]  }
0x134: {  	v9 =	vadd.f32 v9, v11;
	v8 =	vadd.f32 v8, v10;
	v10 =	vld [tilespmem:s15+$0xFB70]  }
0x135: {  	v11 =	vadd.f32 v18, v14;
	v13 =	vadd.f32 v16, v13;
	v14 =	vld [tilespmem:s15+$0xFBA0]  }
0x136: {  	v6 =	vadd.f32 v6, v9;
	v7 =	vadd.f32 v7, v8;
	v8 =	vld [tilespmem:s15+$0xFBB0]  }
0x137: {  	v9 =	vadd.f32 v17, v11;
	v11 =	vadd.f32 v12, v13;
	v13 =	vld [tilespmem:s15+$0xFBE0]  }
0x138: {  	v4 =	vadd.f32 v4, v6;
	v5 =	vadd.f32 v5, v7;
	v6 =	vld [tilespmem:s15+$0xFBF0];
	s15 =	sshra.s32 s16, $0x2  }
0x139: {  	v9 =	vadd.f32 v15, v9;
	v7 =	vld [tilespmem:s15+$0xFBC0];
	v10 =	vadd.f32 v10, v11  }
0x13a: {  	v4 =	vadd.f32 v2, v4;
	v5 =	vadd.f32 v3, v5;
	v11 =	vld [tilespmem:s15+$0xFBD0]  }
0x13b: {  	v9 =	vadd.f32 v14, v9;
	v2 =	vld [tilespmem:s15+$0xFB80];
	v8 =	vadd.f32 v8, v10  }
0x13c: {  	v12 =	vadd.f32 v0, v4;
	v15 =	vadd.f32 v1, v5;
	v3 =	vld [tilespmem:s15+$0xFB90]  }
0x13d: {  	v14 =	vadd.f32 v13, v9;
	v4 =	vld [tilespmem:s15+$0xFB40];
	v13 =	vadd.f32 v6, v8  }
0x13e: {  	v5 =	vld [tilespmem:s15+$0xFB50];
	v0 =	vmov v7  }
0x13f: {  	v6 =	vld [tilespmem:s15+$0xFB00];
	v1 =	vmov v11  }
0x140: {  	v7 =	vld [tilespmem:s15+$0xFB10]  }
0x141: {  	v9 =	vld [tilespmem:s15+$0xFAC0]  }
0x142: {  	v8 =	vld [tilespmem:s15+$0xFAD0]  }
0x143: {  	v11 =	vld [tilespmem:s15+$0xFA80]  }
0x144: {  	v10 =	vld [tilespmem:s15+$0xFA90]  }
.Ltmp3:
0x145: {  	v17 =	vld [tilespmem:s15+$0xFA40];
	(pc) =	sbr.rel @p1 .LBB2_9-.Ltmp3, $4  }
0x146: {  	v16 =	vld [tilespmem:s15+$0xFA50]  }
0x147: {  	v19 =	vld [tilespmem:s15+$0xFA00]  }
0x148: {  	v20 =	vld [tilespmem:s15+$0xFA10]  }
0x149: {  	s16 =	sadd.s32 $0x800, s16;
	v18 =	vld [tilespmem:s15+$0xFA20]  }
0x14a: {  	v21 =	vld [tilespmem:s15+$0xFA30]  }
0x14b: {  	v22 =	vld [tilespmem:s15+$0xFA60]  }
0x14c: {  	v23 =	vld [tilespmem:s15+$0xFA70]  }
0x14d: {  	v42 =	vld [tilespmem:s15+$0xFAA0];
	v12 =	vadd.f32 v19, v12  }
0x14e: {  	v43 =	vld [tilespmem:s15+$0xFAB0];
	v15 =	vadd.f32 v20, v15  }
0x14f: {  	v44 =	vld [tilespmem:s15+$0xFAE0];
	v14 =	vadd.f32 v18, v14;
	v12 =	vadd.f32 v17, v12  }
0x150: {  	v45 =	vld [tilespmem:s15+$0xFAF0];
	v13 =	vadd.f32 v21, v13;
	v15 =	vadd.f32 v16, v15  }
0x151: {  	v47 =	vld [tilespmem:s15+$0xFB20];
	v14 =	vadd.f32 v22, v14;
	v11 =	vadd.f32 v11, v12  }
0x152: {  	v48 =	vld [tilespmem:s15+$0xFB30];
	v46 =	vadd.f32 v23, v13;
	v10 =	vadd.f32 v10, v15  }
0x153: {  	v50 =	vld [tilespmem:s15+$0xFB60];
	v14 =	vadd.f32 v42, v14;
	v9 =	vadd.f32 v9, v11  }
0x154: {  	v51 =	vld [tilespmem:s15+$0xFB70];
	v49 =	vadd.f32 v43, v46;
	v8 =	vadd.f32 v8, v10  }
0x155: {  	v53 =	vld [tilespmem:s15+$0xFBA0];
	v14 =	vadd.f32 v44, v14;
	v6 =	vadd.f32 v6, v9  }
0x156: {  	v54 =	vld [tilespmem:s15+$0xFBB0];
	s13 =	sadd.s32 @!p0 $0x7, s13;
	v52 =	vadd.f32 v45, v49;
	v7 =	vadd.f32 v7, v8  }
0x157: {  	v56 =	vld [tilespmem:s15+$0xFBE0];
	s17 =	simm.s32 @!p0 $0xFA00;
	s16 =	sshll.u32 @!p0 s13, $0x7;
	v13 =	vadd.f32 v47, v14;
	v4 =	vadd.f32 v4, v6  }
0x158: {  	v57 =	vld [tilespmem:s15+$0xFBF0];
	s13 =	smul.u32 @!p0 $0x120, s13;
	s15 =	sand.u32 @!p0 $0x3FFFFF80, s16;
	s16 =	simm.s32 @!p0 $0x80;
	v55 =	vadd.f32 v48, v52;
	v5 =	vadd.f32 v5, v7  }
0x159: {  	[tilespmem:s17], [sflag:$0x4] =	stream.indirect.gather @!p0 [hbm4b:s3+s16], $0x40, s15, s16, $0xb8;
	v12 =	vadd.f32 v50, v13;
	v2 =	vadd.f32 v2, v4;
	[tilespmem:$0x14C00] =	vst v63  }
0x15a: {  	s0 =	sadd.s32 $0x1, s0;
	s13 =	sshra.s32 @!p0 s13, $0x2;
	v58 =	vadd.f32 v51, v55;
	v3 =	vadd.f32 v3, v5  }
0x15b: {  	s15 =	simm.s32 @!p0 $0x48;
	s16 =	simm.s32 @!p0 $0x11A00;
	s13 =	sadd.s32 @!p0 $0x4000, s13;
	v59 =	vadd.f32 v53, v12;
	v0 =	vadd.f32 v0, v2  }
0x15c: {  	[tilespmem:s16], [sflag:$0x4] =	stream.indirect.gather @!p0 [hbm4b:s3+s15], $0x40, s13, s15, $0xb8;
	v60 =	vadd.f32 v54, v58;
	v1 =	vadd.f32 v1, v3;
	[tilespmem:$0x14C00] =	vst v63  }
0x15d: {  	p0 =	sne.s32 s0, $0x20;
	v61 =	vadd.f32 v56, v59;
	v0 =	vmul.f32 $4.999999890e-03, v0  }
.Ltmp4:
0x15e: {  	v2 =	vadd.f32 v57, v60;
	v1 =	vmul.f32 $4.999999890e-03, v1;
	(pc) =	sbr.rel @p0 .LBB2_2-.Ltmp4, $4  }
0x15f: {  	[tilespmem:s14+$0x12CC0] =	vst v0;
	v62 =	vmul.f32 $4.999999890e-03, v61  }
0x160: {  	[tilespmem:s14+$0x12CD0] =	vst v1;
	v63 =	vmul.f32 $4.999999890e-03, v2  }
0x161: {  	[tilespmem:s14+$0x12CE0] =	vst v62  }
0x162: {  	[tilespmem:s14+$0x12CF0] =	vst v63  }
0x163: {  	s1 =	sadd.s32 $0x1, s1  }
0x164: {  	p0 =	sne.s32 s1, s7  }
.Ltmp5:
0x165: {  	_ = 	snop;
	(pc) =	sbr.rel @p0 .LBB2_1-.Ltmp5, $4  }
0x166: {  	[hbm4b:s6+s2] =	stream.linear.scatter [tilespmem:s31], [sflag:$0x5], $0x2000, $0x38;
	[tilespmem:$0x14C00] =	vst v63  }
0x167: {  	_ =	swait.ge [sflag:s10], $0x2000  }
0x168: {  	[sflag:s10] =	ssyncset.done $0x0  }
0x169: {  	[sflag:s10] =	ssyncadd.s32 $0xFFFFE000  }
0x16a: {  	_ =	sfence.sel $0x180000  }
0x16b: {  	[bflag:$0x0] =	sbarrier.arrive $0xFFFF  }
0x16c: {  	_ =	strace $0x90000047  }
0x16d: {  	s0 =	stileid.u32;
	[bflag:$0x2] =	sbarrier.arrive $0xFFFF  }
0x16e: {  	p0 =	sne.s32 s0, $0x0;
	s0 =	rddreg [dreg:$0x2]  }
0x16f: {  	s0 =	sadd.s32 @!p0 $0x100000, s0  }
0x170: {  	[sflag:s0] =	ssyncadd.tile.s32 @!p0 $0x1;
	_ =	shalt  }
.Lfunc_end2:
_tile_overlayer_lowered:
.L_overlay_start_2:
0x171: {  	(tag) =	ssettag $0x2  }
0x172: {  	s0 =	rddreg [dreg:$0x0];
	s2 =	stileid.u32  }
0x173: {  	s1 =	rddreg [dreg:$0x1];
	p0 =	sne.s32 s2, $0x0  }
0x174: {  	s3 =	rddreg [dreg:$0x2];
	[bflag:$0x3] =	sbarrier.arrive $0xFFFF;
	s2 =	simm.s32 @!p0 $0x1C05  }
0x175: {  	[timem:s3], [sflag:s2] =	dma.local @!p0 [hbm:s0], s1  }
0x176: {  	s0 =	simm.s32 @!p0 $0x5  }
0x177: {  	_ =	swait.ge @!p0 [sflag:s0], s1  }
0x178: {  	s1 =	ssub.s32 @!p0 $0x0, s1;
	[sflag:s0] =	ssyncset.done @!p0 $0x0  }
0x179: {  	[sflag:s0] =	ssyncadd.s32 @!p0 s1  }
0x17a: {  	[bflag:$0x3] =	sbarrier.arrive $0xFFFF  }
0x17b: {  	_ =	shalt  }

</sc_bundles>
